<compile_context>
chip_gen: v7x
topology: tpu7x:2x2x1
jax: 0.10.2.dev20260603
libtpu: 0.0.44.dev20260713+nightly
codegen_flags: <defaults>
</compile_context>

<pallas_src>
import functools

import jax
import jax.numpy as jnp
from jax import lax
from jax.experimental import pallas as pl
from jax.experimental.pallas import tpu as pltpu
from jax.experimental.pallas import tpu_sc as plsc

BATCH = 16384
EMBED_K = 64
NUM_CORES = 2
NUM_SUBCORES = 16
LANES = 16
NUM_WORKERS = NUM_CORES * NUM_SUBCORES

SC_ROWS = 4096
TC_ROWS = BATCH - SC_ROWS
SC_RPW = SC_ROWS // NUM_WORKERS
CHUNK = 64
NUM_CHUNKS = SC_RPW // CHUNK
CHUNK_WORDS = CHUNK * EMBED_K


def _sc_body(gu_hbm, gi_hbm, out_hbm, gu_v, gi_v, out_v, sem_a, sem_b):
    wid = lax.axis_index("s") * NUM_CORES + lax.axis_index("c")
    base = wid * SC_RPW

    sems = (sem_a, sem_b)

    def start(c):
        buf = c % 2
        off = (base + c * CHUNK) * EMBED_K
        h_u = pltpu.make_async_copy(
            gu_hbm.at[pl.ds(off, CHUNK_WORDS)], gu_v.at[buf], sems[buf])
        h_i = pltpu.make_async_copy(
            gi_hbm.at[pl.ds(off, CHUNK_WORDS)], gi_v.at[buf], sems[buf])
        h_u.start()
        h_i.start()
        return h_u, h_i

    last_lane = lax.iota(jnp.int32, LANES) == LANES - 1
    handles = [None, None]
    handles[0] = start(0)
    for c in range(NUM_CHUNKS):
        if c + 1 < NUM_CHUNKS:
            handles[(c + 1) % 2] = start(c + 1)
        h_u, h_i = handles[c % 2]
        h_u.wait()
        h_i.wait()
        buf = c % 2
        row0 = c * CHUNK

        @plsc.parallel_loop(0, CHUNK, unroll=16)
        def _row(r):
            off = r * EMBED_K
            s = gu_v[buf, pl.ds(off, LANES)] * gi_v[buf, pl.ds(off, LANES)]
            for k in range(1, EMBED_K // LANES):
                s = s + (gu_v[buf, pl.ds(off + k * LANES, LANES)]
                         * gi_v[buf, pl.ds(off + k * LANES, LANES)])
            plsc.store_scatter(out_v, [jnp.full((LANES,), row0 + r, jnp.int32)],
                               plsc.cumsum(s), mask=last_lane)

    pltpu.sync_copy(out_v, out_hbm.at[pl.ds(base, SC_RPW)])


_sc_dot = functools.partial(
    pl.kernel,
    mesh=plsc.VectorSubcoreMesh(core_axis_name="c", subcore_axis_name="s",
                                num_cores=NUM_CORES),
    out_type=jax.ShapeDtypeStruct((SC_ROWS,), jnp.float32),
    compiler_params=pltpu.CompilerParams(needs_layout_passes=False),
    scratch_types=[
        pltpu.VMEM((2, CHUNK_WORDS), jnp.float32),
        pltpu.VMEM((2, CHUNK_WORDS), jnp.float32),
        pltpu.VMEM((SC_RPW,), jnp.float32),
        pltpu.SemaphoreType.DMA,
        pltpu.SemaphoreType.DMA,
    ],
)(_sc_body)

TC_BLOCK = 2048


def _tc_body(gu_ref, gi_ref, out_ref):
    out_ref[...] = jnp.sum(gu_ref[...] * gi_ref[...], axis=1)


_tc_dot = pl.pallas_call(
    _tc_body,
    grid=(TC_ROWS // TC_BLOCK,),
    in_specs=[
        pl.BlockSpec((TC_BLOCK, EMBED_K), lambda i: (i, 0)),
        pl.BlockSpec((TC_BLOCK, EMBED_K), lambda i: (i, 0)),
    ],
    out_specs=pl.BlockSpec((TC_BLOCK,), lambda i: (i,)),
    out_shape=jax.ShapeDtypeStruct((TC_ROWS,), jnp.float32),
)


def kernel(gu, gi):
    xui_sc = _sc_dot(gu[:SC_ROWS].reshape(-1), gi[:SC_ROWS].reshape(-1))
    xui_tc = _tc_dot(gu[SC_ROWS:], gi[SC_ROWS:])
    return jnp.concatenate([xui_sc, xui_tc])

# --- scband reference (transcript-rebuilt; emitter-appended) ---
"""Pipeline reference for scband-dgcfmodel-39728447488527 (READ-ONLY COPY).

The authoritative reference and input builder live on the scoring server;
editing this copy changes nothing except your own understanding.
"""

import jax, jax.numpy as jnp
import numpy as np

BATCH = 16384
EMBED_K = 64

def setup_inputs(seed: int = 0) -> dict:
    key = jax.random.key(seed)
    k1, k2 = jax.random.split(key)
    gu = jax.random.normal(k1, (BATCH, EMBED_K), dtype=jnp.float32)
    gi = jax.random.normal(k2, (BATCH, EMBED_K), dtype=jnp.float32)
    return {"gu": gu, "gi": gi}

def reference(gu, gi):
    # Faithful translation of DGCFModel.forward: inputs = (gu, gi)
    gamma_u = jnp.squeeze(gu)
    gamma_i = jnp.squeeze(gi)
    xui = jnp.sum(gamma_u * gamma_i, axis=1)
    return xui

if __name__ == "__main__":
    import jax
    _d = setup_inputs()
    print(jax.jit(kernel)(*tuple(_d.values())))

</pallas_src>

<mosaic_0001>
#map = affine_map<(d0, d1) -> (0)>
module attributes {stable_mosaic.version = 14 : i64} {
  func.func @_sc_body(%arg0: i32, %arg1: i32, %arg2: memref<262144xf32, #tpu.memory_space<hbm>>, %arg3: memref<262144xf32, #tpu.memory_space<hbm>>, %arg4: memref<4096xf32, #tpu.memory_space<hbm>>, %arg5: memref<2x4096xf32, #tpu.memory_space<vmem>>, %arg6: memref<2x4096xf32, #tpu.memory_space<vmem>>, %arg7: memref<128xf32, #tpu.memory_space<vmem>>, %arg8: memref<!tpu.dma_semaphore, #tpu.memory_space<semaphore_mem>>, %arg9: memref<!tpu.dma_semaphore, #tpu.memory_space<semaphore_mem>>) attributes {dimension_semantics = [#tpu.dimension_semantics<core_parallel>, #tpu.dimension_semantics<subcore_parallel>], iteration_bounds = array<i64: 2, 16>, scalar_prefetch = 0 : i64, scratch_operands = 5 : i64, tpu.core_type = #tpu.core_type<sc_vector_subcore>, window_params = [{transform_indices = #map}, {transform_indices = #map}, {transform_indices = #map}]} {
    %mul3A = arith.constant 2 : i32
    %mul3A_0 = arith.muli %arg1, %mul3A : i32
    %add3A = arith.addi %mul3A_0, %arg0 : i32
    %mul3A_1 = arith.constant 128 : i32
    %mul3A_2 = arith.muli %add3A, %mul3A_1 : i32
    %iota3A = tpu.iota {dimensions = array<i32: 0>} : vector<16xi32>
    %eq3A = arith.constant 15 : i32
    %eq3A_3 = vector.broadcast %eq3A : i32 to vector<16xi32>
    %eq3A_4 = arith.cmpi eq, %iota3A, %eq3A_3 : vector<16xi32>
    %add3A_5 = arith.constant 0 : i32
    %add3A_6 = arith.addi %mul3A_2, %add3A_5 : i32
    %mul3A_7 = arith.constant 64 : i32
    %mul3A_8 = arith.muli %add3A_6, %mul3A_7 : i32
    %dma_start3A = arith.constant 0 : i32
    %dma_start3A_9 = arith.constant 0 : i32
    %dma_start3A_10 = tpu.memref_slice %arg5[%dma_start3A, %dma_start3A_9] : memref<2x4096xf32, #tpu.memory_space<vmem>> -> memref<1x4096xf32, #tpu.memory_space<vmem>>
    %dma_start3A_11 = tpu.memref_squeeze %dma_start3A_10 : memref<1x4096xf32, #tpu.memory_space<vmem>> -> memref<4096xf32, #tpu.memory_space<vmem>>
    %dma_start3A_12 = tpu.memref_slice %arg2[%mul3A_8] : memref<262144xf32, #tpu.memory_space<hbm>> -> memref<4096xf32, #tpu.memory_space<hbm>>
    %dma_start3A_13 = arith.constant 0 : i32
    %dma_start3A_14 = tpu.memref_slice %arg5[%dma_start3A, %dma_start3A_13] : memref<2x4096xf32, #tpu.memory_space<vmem>> -> memref<1x4096xf32, #tpu.memory_space<vmem>>
    %dma_start3A_15 = tpu.memref_squeeze %dma_start3A_14 : memref<1x4096xf32, #tpu.memory_space<vmem>> -> memref<4096xf32, #tpu.memory_space<vmem>>
    %dma_start3A_16 = tpu.memref_slice %arg2[%mul3A_8] : memref<262144xf32, #tpu.memory_space<hbm>> -> memref<4096xf32, #tpu.memory_space<hbm>>
    tpu.enqueue_dma source(%dma_start3A_16 : memref<4096xf32, #tpu.memory_space<hbm>>) target(%dma_start3A_15 : memref<4096xf32, #tpu.memory_space<vmem>>) target_semaphore(%arg8 : memref<!tpu.dma_semaphore, #tpu.memory_space<semaphore_mem>>)
    %dma_start3A_17 = arith.constant 0 : i32
    %dma_start3A_18 = arith.constant 0 : i32
    %dma_start3A_19 = tpu.memref_slice %arg6[%dma_start3A_17, %dma_start3A_18] : memref<2x4096xf32, #tpu.memory_space<vmem>> -> memref<1x4096xf32, #tpu.memory_space<vmem>>
    %dma_start3A_20 = tpu.memref_squeeze %dma_start3A_19 : memref<1x4096xf32, #tpu.memory_space<vmem>> -> memref<4096xf32, #tpu.memory_space<vmem>>
    %dma_start3A_21 = tpu.memref_slice %arg3[%mul3A_8] : memref<262144xf32, #tpu.memory_space<hbm>> -> memref<4096xf32, #tpu.memory_space<hbm>>
    %dma_start3A_22 = arith.constant 0 : i32
    %dma_start3A_23 = tpu.memref_slice %arg6[%dma_start3A_17, %dma_start3A_22] : memref<2x4096xf32, #tpu.memory_space<vmem>> -> memref<1x4096xf32, #tpu.memory_space<vmem>>
    %dma_start3A_24 = tpu.memref_squeeze %dma_start3A_23 : memref<1x4096xf32, #tpu.memory_space<vmem>> -> memref<4096xf32, #tpu.memory_space<vmem>>
    %dma_start3A_25 = tpu.memref_slice %arg3[%mul3A_8] : memref<262144xf32, #tpu.memory_space<hbm>> -> memref<4096xf32, #tpu.memory_space<hbm>>
    tpu.enqueue_dma source(%dma_start3A_25 : memref<4096xf32, #tpu.memory_space<hbm>>) target(%dma_start3A_24 : memref<4096xf32, #tpu.memory_space<vmem>>) target_semaphore(%arg8 : memref<!tpu.dma_semaphore, #tpu.memory_space<semaphore_mem>>)
    %add3A_26 = arith.constant 64 : i32
    %add3A_27 = arith.addi %mul3A_2, %add3A_26 : i32
    %mul3A_28 = arith.constant 64 : i32
    %mul3A_29 = arith.muli %add3A_27, %mul3A_28 : i32
    %dma_start3A_30 = arith.constant 1 : i32
    %dma_start3A_31 = arith.constant 0 : i32
    %dma_start3A_32 = tpu.memref_slice %arg5[%dma_start3A_30, %dma_start3A_31] : memref<2x4096xf32, #tpu.memory_space<vmem>> -> memref<1x4096xf32, #tpu.memory_space<vmem>>
    %dma_start3A_33 = tpu.memref_squeeze %dma_start3A_32 : memref<1x4096xf32, #tpu.memory_space<vmem>> -> memref<4096xf32, #tpu.memory_space<vmem>>
    %dma_start3A_34 = tpu.memref_slice %arg2[%mul3A_29] : memref<262144xf32, #tpu.memory_space<hbm>> -> memref<4096xf32, #tpu.memory_space<hbm>>
    %dma_start3A_35 = arith.constant 0 : i32
    %dma_start3A_36 = tpu.memref_slice %arg5[%dma_start3A_30, %dma_start3A_35] : memref<2x4096xf32, #tpu.memory_space<vmem>> -> memref<1x4096xf32, #tpu.memory_space<vmem>>
    %dma_start3A_37 = tpu.memref_squeeze %dma_start3A_36 : memref<1x4096xf32, #tpu.memory_space<vmem>> -> memref<4096xf32, #tpu.memory_space<vmem>>
    %dma_start3A_38 = tpu.memref_slice %arg2[%mul3A_29] : memref<262144xf32, #tpu.memory_space<hbm>> -> memref<4096xf32, #tpu.memory_space<hbm>>
    tpu.enqueue_dma source(%dma_start3A_38 : memref<4096xf32, #tpu.memory_space<hbm>>) target(%dma_start3A_37 : memref<4096xf32, #tpu.memory_space<vmem>>) target_semaphore(%arg9 : memref<!tpu.dma_semaphore, #tpu.memory_space<semaphore_mem>>)
    %dma_start3A_39 = arith.constant 1 : i32
    %dma_start3A_40 = arith.constant 0 : i32
    %dma_start3A_41 = tpu.memref_slice %arg6[%dma_start3A_39, %dma_start3A_40] : memref<2x4096xf32, #tpu.memory_space<vmem>> -> memref<1x4096xf32, #tpu.memory_space<vmem>>
    %dma_start3A_42 = tpu.memref_squeeze %dma_start3A_41 : memref<1x4096xf32, #tpu.memory_space<vmem>> -> memref<4096xf32, #tpu.memory_space<vmem>>
    %dma_start3A_43 = tpu.memref_slice %arg3[%mul3A_29] : memref<262144xf32, #tpu.memory_space<hbm>> -> memref<4096xf32, #tpu.memory_space<hbm>>
    %dma_start3A_44 = arith.constant 0 : i32
    %dma_start3A_45 = tpu.memref_slice %arg6[%dma_start3A_39, %dma_start3A_44] : memref<2x4096xf32, #tpu.memory_space<vmem>> -> memref<1x4096xf32, #tpu.memory_space<vmem>>
    %dma_start3A_46 = tpu.memref_squeeze %dma_start3A_45 : memref<1x4096xf32, #tpu.memory_space<vmem>> -> memref<4096xf32, #tpu.memory_space<vmem>>
    %dma_start3A_47 = tpu.memref_slice %arg3[%mul3A_29] : memref<262144xf32, #tpu.memory_space<hbm>> -> memref<4096xf32, #tpu.memory_space<hbm>>
    tpu.enqueue_dma source(%dma_start3A_47 : memref<4096xf32, #tpu.memory_space<hbm>>) target(%dma_start3A_46 : memref<4096xf32, #tpu.memory_space<vmem>>) target_semaphore(%arg9 : memref<!tpu.dma_semaphore, #tpu.memory_space<semaphore_mem>>)
    %dma_wait3A = arith.constant 0 : i32
    %dma_wait3A_48 = arith.constant 0 : i32
    %dma_wait3A_49 = tpu.memref_slice %arg5[%dma_wait3A, %dma_wait3A_48] : memref<2x4096xf32, #tpu.memory_space<vmem>> -> memref<1x4096xf32, #tpu.memory_space<vmem>>
    %dma_wait3A_50 = tpu.memref_squeeze %dma_wait3A_49 : memref<1x4096xf32, #tpu.memory_space<vmem>> -> memref<4096xf32, #tpu.memory_space<vmem>>
    %dma_wait3A_51 = tpu.memref_slice %arg2[%mul3A_8] : memref<262144xf32, #tpu.memory_space<hbm>> -> memref<4096xf32, #tpu.memory_space<hbm>>
    %dma_wait3A_52 = arith.constant 0 : i32
    %dma_wait3A_53 = tpu.memref_slice %arg5[%dma_wait3A, %dma_wait3A_52] : memref<2x4096xf32, #tpu.memory_space<vmem>> -> memref<1x4096xf32, #tpu.memory_space<vmem>>
    %dma_wait3A_54 = tpu.memref_squeeze %dma_wait3A_53 : memref<1x4096xf32, #tpu.memory_space<vmem>> -> memref<4096xf32, #tpu.memory_space<vmem>>
    %dma_wait3A_55 = tpu.memref_slice %arg2[%mul3A_8] : memref<262144xf32, #tpu.memory_space<hbm>> -> memref<4096xf32, #tpu.memory_space<hbm>>
    tpu.wait_dma2 semaphore(%arg8 : memref<!tpu.dma_semaphore, #tpu.memory_space<semaphore_mem>>) src(%dma_wait3A_55 : memref<4096xf32, #tpu.memory_space<hbm>>) dst(%dma_wait3A_54 : memref<4096xf32, #tpu.memory_space<vmem>>)
    %dma_wait3A_56 = arith.constant 0 : i32
    %dma_wait3A_57 = arith.constant 0 : i32
    %dma_wait3A_58 = tpu.memref_slice %arg6[%dma_wait3A_56, %dma_wait3A_57] : memref<2x4096xf32, #tpu.memory_space<vmem>> -> memref<1x4096xf32, #tpu.memory_space<vmem>>
    %dma_wait3A_59 = tpu.memref_squeeze %dma_wait3A_58 : memref<1x4096xf32, #tpu.memory_space<vmem>> -> memref<4096xf32, #tpu.memory_space<vmem>>
    %dma_wait3A_60 = tpu.memref_slice %arg3[%mul3A_8] : memref<262144xf32, #tpu.memory_space<hbm>> -> memref<4096xf32, #tpu.memory_space<hbm>>
    %dma_wait3A_61 = arith.constant 0 : i32
    %dma_wait3A_62 = tpu.memref_slice %arg6[%dma_wait3A_56, %dma_wait3A_61] : memref<2x4096xf32, #tpu.memory_space<vmem>> -> memref<1x4096xf32, #tpu.memory_space<vmem>>
    %dma_wait3A_63 = tpu.memref_squeeze %dma_wait3A_62 : memref<1x4096xf32, #tpu.memory_space<vmem>> -> memref<4096xf32, #tpu.memory_space<vmem>>
    %dma_wait3A_64 = tpu.memref_slice %arg3[%mul3A_8] : memref<262144xf32, #tpu.memory_space<hbm>> -> memref<4096xf32, #tpu.memory_space<hbm>>
    tpu.wait_dma2 semaphore(%arg8 : memref<!tpu.dma_semaphore, #tpu.memory_space<semaphore_mem>>) src(%dma_wait3A_64 : memref<4096xf32, #tpu.memory_space<hbm>>) dst(%dma_wait3A_63 : memref<4096xf32, #tpu.memory_space<vmem>>)
    %parallel_loop3A = arith.constant 0 : i32
    %parallel_loop3A_65 = arith.constant 64 : i32
    %parallel_loop3A_66 = arith.constant 1 : i32
    scf.for %parallel_loop3A_88 = %parallel_loop3A to %parallel_loop3A_65 step %parallel_loop3A_66  : i32 {
      %parallel_loop3A_89 = arith.constant 64 : i32
      %parallel_loop3A_90 = arith.muli %parallel_loop3A_88, %parallel_loop3A_89 : i32
      %parallel_loop3A_91 = arith.constant 0 : i32
      %parallel_loop3A_92 = arith.index_cast %parallel_loop3A_91 : i32 to index
      %parallel_loop3A_93 = arith.index_cast %parallel_loop3A_90 : i32 to index
      %parallel_loop3A_94 = tpu.vector_load %arg5[%parallel_loop3A_92, %parallel_loop3A_93] {strides = array<i32>} : memref<2x4096xf32, #tpu.memory_space<vmem>>, vector<16xf32>,
      %parallel_loop3A_95 = arith.constant 0 : i32
      %parallel_loop3A_96 = arith.index_cast %parallel_loop3A_95 : i32 to index
      %parallel_loop3A_97 = arith.index_cast %parallel_loop3A_90 : i32 to index
      %parallel_loop3A_98 = tpu.vector_load %arg6[%parallel_loop3A_96, %parallel_loop3A_97] {strides = array<i32>} : memref<2x4096xf32, #tpu.memory_space<vmem>>, vector<16xf32>,
      %parallel_loop3A_99 = arith.mulf %parallel_loop3A_94, %parallel_loop3A_98 : vector<16xf32>
      %parallel_loop3A_100 = arith.constant 16 : i32
      %parallel_loop3A_101 = arith.addi %parallel_loop3A_90, %parallel_loop3A_100 : i32
      %parallel_loop3A_102 = arith.constant 0 : i32
      %parallel_loop3A_103 = arith.index_cast %parallel_loop3A_102 : i32 to index
      %parallel_loop3A_104 = arith.index_cast %parallel_loop3A_101 : i32 to index
      %parallel_loop3A_105 = tpu.vector_load %arg5[%parallel_loop3A_103, %parallel_loop3A_104] {strides = array<i32>} : memref<2x4096xf32, #tpu.memory_space<vmem>>, vector<16xf32>,
      %parallel_loop3A_106 = arith.constant 16 : i32
      %parallel_loop3A_107 = arith.addi %parallel_loop3A_90, %parallel_loop3A_106 : i32
      %parallel_loop3A_108 = arith.constant 0 : i32
      %parallel_loop3A_109 = arith.index_cast %parallel_loop3A_108 : i32 to index
      %parallel_loop3A_110 = arith.index_cast %parallel_loop3A_107 : i32 to index
      %parallel_loop3A_111 = tpu.vector_load %arg6[%parallel_loop3A_109, %parallel_loop3A_110] {strides = array<i32>} : memref<2x4096xf32, #tpu.memory_space<vmem>>, vector<16xf32>,
      %parallel_loop3A_112 = arith.mulf %parallel_loop3A_105, %parallel_loop3A_111 : vector<16xf32>
      %parallel_loop3A_113 = arith.addf %parallel_loop3A_99, %parallel_loop3A_112 : vector<16xf32>
      %parallel_loop3A_114 = arith.constant 32 : i32
      %parallel_loop3A_115 = arith.addi %parallel_loop3A_90, %parallel_loop3A_114 : i32
      %parallel_loop3A_116 = arith.constant 0 : i32
      %parallel_loop3A_117 = arith.index_cast %parallel_loop3A_116 : i32 to index
      %parallel_loop3A_118 = arith.index_cast %parallel_loop3A_115 : i32 to index
      %parallel_loop3A_119 = tpu.vector_load %arg5[%parallel_loop3A_117, %parallel_loop3A_118] {strides = array<i32>} : memref<2x4096xf32, #tpu.memory_space<vmem>>, vector<16xf32>,
      %parallel_loop3A_120 = arith.constant 32 : i32
      %parallel_loop3A_121 = arith.addi %parallel_loop3A_90, %parallel_loop3A_120 : i32
      %parallel_loop3A_122 = arith.constant 0 : i32
      %parallel_loop3A_123 = arith.index_cast %parallel_loop3A_122 : i32 to index
      %parallel_loop3A_124 = arith.index_cast %parallel_loop3A_121 : i32 to index
      %parallel_loop3A_125 = tpu.vector_load %arg6[%parallel_loop3A_123, %parallel_loop3A_124] {strides = array<i32>} : memref<2x4096xf32, #tpu.memory_space<vmem>>, vector<16xf32>,
      %parallel_loop3A_126 = arith.mulf %parallel_loop3A_119, %parallel_loop3A_125 : vector<16xf32>
      %parallel_loop3A_127 = arith.addf %parallel_loop3A_113, %parallel_loop3A_126 : vector<16xf32>
      %parallel_loop3A_128 = arith.constant 48 : i32
      %parallel_loop3A_129 = arith.addi %parallel_loop3A_90, %parallel_loop3A_128 : i32
      %parallel_loop3A_130 = arith.constant 0 : i32
      %parallel_loop3A_131 = arith.index_cast %parallel_loop3A_130 : i32 to index
      %parallel_loop3A_132 = arith.index_cast %parallel_loop3A_129 : i32 to index
      %parallel_loop3A_133 = tpu.vector_load %arg5[%parallel_loop3A_131, %parallel_loop3A_132] {strides = array<i32>} : memref<2x4096xf32, #tpu.memory_space<vmem>>, vector<16xf32>,
      %parallel_loop3A_134 = arith.constant 48 : i32
      %parallel_loop3A_135 = arith.addi %parallel_loop3A_90, %parallel_loop3A_134 : i32
      %parallel_loop3A_136 = arith.constant 0 : i32
      %parallel_loop3A_137 = arith.index_cast %parallel_loop3A_136 : i32 to index
      %parallel_loop3A_138 = arith.index_cast %parallel_loop3A_135 : i32 to index
      %parallel_loop3A_139 = tpu.vector_load %arg6[%parallel_loop3A_137, %parallel_loop3A_138] {strides = array<i32>} : memref<2x4096xf32, #tpu.memory_space<vmem>>, vector<16xf32>,
      %parallel_loop3A_140 = arith.mulf %parallel_loop3A_133, %parallel_loop3A_139 : vector<16xf32>
      %parallel_loop3A_141 = arith.addf %parallel_loop3A_127, %parallel_loop3A_140 : vector<16xf32>
      %parallel_loop3A_142 = arith.constant 0 : i32
      %parallel_loop3A_143 = arith.addi %parallel_loop3A_142, %parallel_loop3A_88 : i32
      %parallel_loop3A_144 = vector.broadcast %parallel_loop3A_143 : i32 to vector<16xi32>
      %parallel_loop3A_145 = arith.constant true
      %parallel_loop3A_146 = vector.broadcast %parallel_loop3A_145 : i1 to vector<16xi1>
      %parallel_loop3A_147 = tpu.scan <sum>, %parallel_loop3A_141 masked %parallel_loop3A_146 : vector<16xf32>, vector<16xi1> -> vector<16xf32>
      tpu.vector_store_idx %arg7[%parallel_loop3A_144], %parallel_loop3A_147 masked %eq3A_4 : memref<128xf32, #tpu.memory_space<vmem>>[vector<16xi32>], vector<16xf32>, vector<16xi1>
    } {sc.loop_unroll_factor = 16 : i64, sc.parallel_access}
    %dma_wait3A_67 = arith.constant 1 : i32
    %dma_wait3A_68 = arith.constant 0 : i32
    %dma_wait3A_69 = tpu.memref_slice %arg5[%dma_wait3A_67, %dma_wait3A_68] : memref<2x4096xf32, #tpu.memory_space<vmem>> -> memref<1x4096xf32, #tpu.memory_space<vmem>>
    %dma_wait3A_70 = tpu.memref_squeeze %dma_wait3A_69 : memref<1x4096xf32, #tpu.memory_space<vmem>> -> memref<4096xf32, #tpu.memory_space<vmem>>
    %dma_wait3A_71 = tpu.memref_slice %arg2[%mul3A_29] : memref<262144xf32, #tpu.memory_space<hbm>> -> memref<4096xf32, #tpu.memory_space<hbm>>
    %dma_wait3A_72 = arith.constant 0 : i32
    %dma_wait3A_73 = tpu.memref_slice %arg5[%dma_wait3A_67, %dma_wait3A_72] : memref<2x4096xf32, #tpu.memory_space<vmem>> -> memref<1x4096xf32, #tpu.memory_space<vmem>>
    %dma_wait3A_74 = tpu.memref_squeeze %dma_wait3A_73 : memref<1x4096xf32, #tpu.memory_space<vmem>> -> memref<4096xf32, #tpu.memory_space<vmem>>
    %dma_wait3A_75 = tpu.memref_slice %arg2[%mul3A_29] : memref<262144xf32, #tpu.memory_space<hbm>> -> memref<4096xf32, #tpu.memory_space<hbm>>
    tpu.wait_dma2 semaphore(%arg9 : memref<!tpu.dma_semaphore, #tpu.memory_space<semaphore_mem>>) src(%dma_wait3A_75 : memref<4096xf32, #tpu.memory_space<hbm>>) dst(%dma_wait3A_74 : memref<4096xf32, #tpu.memory_space<vmem>>)
    %dma_wait3A_76 = arith.constant 1 : i32
    %dma_wait3A_77 = arith.constant 0 : i32
    %dma_wait3A_78 = tpu.memref_slice %arg6[%dma_wait3A_76, %dma_wait3A_77] : memref<2x4096xf32, #tpu.memory_space<vmem>> -> memref<1x4096xf32, #tpu.memory_space<vmem>>
    %dma_wait3A_79 = tpu.memref_squeeze %dma_wait3A_78 : memref<1x4096xf32, #tpu.memory_space<vmem>> -> memref<4096xf32, #tpu.memory_space<vmem>>
    %dma_wait3A_80 = tpu.memref_slice %arg3[%mul3A_29] : memref<262144xf32, #tpu.memory_space<hbm>> -> memref<4096xf32, #tpu.memory_space<hbm>>
    %dma_wait3A_81 = arith.constant 0 : i32
    %dma_wait3A_82 = tpu.memref_slice %arg6[%dma_wait3A_76, %dma_wait3A_81] : memref<2x4096xf32, #tpu.memory_space<vmem>> -> memref<1x4096xf32, #tpu.memory_space<vmem>>
    %dma_wait3A_83 = tpu.memref_squeeze %dma_wait3A_82 : memref<1x4096xf32, #tpu.memory_space<vmem>> -> memref<4096xf32, #tpu.memory_space<vmem>>
    %dma_wait3A_84 = tpu.memref_slice %arg3[%mul3A_29] : memref<262144xf32, #tpu.memory_space<hbm>> -> memref<4096xf32, #tpu.memory_space<hbm>>
    tpu.wait_dma2 semaphore(%arg9 : memref<!tpu.dma_semaphore, #tpu.memory_space<semaphore_mem>>) src(%dma_wait3A_84 : memref<4096xf32, #tpu.memory_space<hbm>>) dst(%dma_wait3A_83 : memref<4096xf32, #tpu.memory_space<vmem>>)
    %parallel_loop3A_85 = arith.constant 0 : i32
    %parallel_loop3A_86 = arith.constant 64 : i32
    %parallel_loop3A_87 = arith.constant 1 : i32
    scf.for %parallel_loop3A_88 = %parallel_loop3A_85 to %parallel_loop3A_86 step %parallel_loop3A_87  : i32 {
      %parallel_loop3A_89 = arith.constant 64 : i32
      %parallel_loop3A_90 = arith.muli %parallel_loop3A_88, %parallel_loop3A_89 : i32
      %parallel_loop3A_91 = arith.constant 1 : i32
      %parallel_loop3A_92 = arith.index_cast %parallel_loop3A_91 : i32 to index
      %parallel_loop3A_93 = arith.index_cast %parallel_loop3A_90 : i32 to index
      %parallel_loop3A_94 = tpu.vector_load %arg5[%parallel_loop3A_92, %parallel_loop3A_93] {strides = array<i32>} : memref<2x4096xf32, #tpu.memory_space<vmem>>, vector<16xf32>,
      %parallel_loop3A_95 = arith.constant 1 : i32
      %parallel_loop3A_96 = arith.index_cast %parallel_loop3A_95 : i32 to index
      %parallel_loop3A_97 = arith.index_cast %parallel_loop3A_90 : i32 to index
      %parallel_loop3A_98 = tpu.vector_load %arg6[%parallel_loop3A_96, %parallel_loop3A_97] {strides = array<i32>} : memref<2x4096xf32, #tpu.memory_space<vmem>>, vector<16xf32>,
      %parallel_loop3A_99 = arith.mulf %parallel_loop3A_94, %parallel_loop3A_98 : vector<16xf32>
      %parallel_loop3A_100 = arith.constant 16 : i32
      %parallel_loop3A_101 = arith.addi %parallel_loop3A_90, %parallel_loop3A_100 : i32
      %parallel_loop3A_102 = arith.constant 1 : i32
      %parallel_loop3A_103 = arith.index_cast %parallel_loop3A_102 : i32 to index
      %parallel_loop3A_104 = arith.index_cast %parallel_loop3A_101 : i32 to index
      %parallel_loop3A_105 = tpu.vector_load %arg5[%parallel_loop3A_103, %parallel_loop3A_104] {strides = array<i32>} : memref<2x4096xf32, #tpu.memory_space<vmem>>, vector<16xf32>,
      %parallel_loop3A_106 = arith.constant 16 : i32
      %parallel_loop3A_107 = arith.addi %parallel_loop3A_90, %parallel_loop3A_106 : i32
      %parallel_loop3A_108 = arith.constant 1 : i32
      %parallel_loop3A_109 = arith.index_cast %parallel_loop3A_108 : i32 to index
      %parallel_loop3A_110 = arith.index_cast %parallel_loop3A_107 : i32 to index
      %parallel_loop3A_111 = tpu.vector_load %arg6[%parallel_loop3A_109, %parallel_loop3A_110] {strides = array<i32>} : memref<2x4096xf32, #tpu.memory_space<vmem>>, vector<16xf32>,
      %parallel_loop3A_112 = arith.mulf %parallel_loop3A_105, %parallel_loop3A_111 : vector<16xf32>
      %parallel_loop3A_113 = arith.addf %parallel_loop3A_99, %parallel_loop3A_112 : vector<16xf32>
      %parallel_loop3A_114 = arith.constant 32 : i32
      %parallel_loop3A_115 = arith.addi %parallel_loop3A_90, %parallel_loop3A_114 : i32
      %parallel_loop3A_116 = arith.constant 1 : i32
      %parallel_loop3A_117 = arith.index_cast %parallel_loop3A_116 : i32 to index
      %parallel_loop3A_118 = arith.index_cast %parallel_loop3A_115 : i32 to index
      %parallel_loop3A_119 = tpu.vector_load %arg5[%parallel_loop3A_117, %parallel_loop3A_118] {strides = array<i32>} : memref<2x4096xf32, #tpu.memory_space<vmem>>, vector<16xf32>,
      %parallel_loop3A_120 = arith.constant 32 : i32
      %parallel_loop3A_121 = arith.addi %parallel_loop3A_90, %parallel_loop3A_120 : i32
      %parallel_loop3A_122 = arith.constant 1 : i32
      %parallel_loop3A_123 = arith.index_cast %parallel_loop3A_122 : i32 to index
      %parallel_loop3A_124 = arith.index_cast %parallel_loop3A_121 : i32 to index
      %parallel_loop3A_125 = tpu.vector_load %arg6[%parallel_loop3A_123, %parallel_loop3A_124] {strides = array<i32>} : memref<2x4096xf32, #tpu.memory_space<vmem>>, vector<16xf32>,
      %parallel_loop3A_126 = arith.mulf %parallel_loop3A_119, %parallel_loop3A_125 : vector<16xf32>
      %parallel_loop3A_127 = arith.addf %parallel_loop3A_113, %parallel_loop3A_126 : vector<16xf32>
      %parallel_loop3A_128 = arith.constant 48 : i32
      %parallel_loop3A_129 = arith.addi %parallel_loop3A_90, %parallel_loop3A_128 : i32
      %parallel_loop3A_130 = arith.constant 1 : i32
      %parallel_loop3A_131 = arith.index_cast %parallel_loop3A_130 : i32 to index
      %parallel_loop3A_132 = arith.index_cast %parallel_loop3A_129 : i32 to index
      %parallel_loop3A_133 = tpu.vector_load %arg5[%parallel_loop3A_131, %parallel_loop3A_132] {strides = array<i32>} : memref<2x4096xf32, #tpu.memory_space<vmem>>, vector<16xf32>,
      %parallel_loop3A_134 = arith.constant 48 : i32
      %parallel_loop3A_135 = arith.addi %parallel_loop3A_90, %parallel_loop3A_134 : i32
      %parallel_loop3A_136 = arith.constant 1 : i32
      %parallel_loop3A_137 = arith.index_cast %parallel_loop3A_136 : i32 to index
      %parallel_loop3A_138 = arith.index_cast %parallel_loop3A_135 : i32 to index
      %parallel_loop3A_139 = tpu.vector_load %arg6[%parallel_loop3A_137, %parallel_loop3A_138] {strides = array<i32>} : memref<2x4096xf32, #tpu.memory_space<vmem>>, vector<16xf32>,
      %parallel_loop3A_140 = arith.mulf %parallel_loop3A_133, %parallel_loop3A_139 : vector<16xf32>
      %parallel_loop3A_141 = arith.addf %parallel_loop3A_127, %parallel_loop3A_140 : vector<16xf32>
      %parallel_loop3A_142 = arith.constant 64 : i32
      %parallel_loop3A_143 = arith.addi %parallel_loop3A_142, %parallel_loop3A_88 : i32
      %parallel_loop3A_144 = vector.broadcast %parallel_loop3A_143 : i32 to vector<16xi32>
      %parallel_loop3A_145 = arith.constant true
      %parallel_loop3A_146 = vector.broadcast %parallel_loop3A_145 : i1 to vector<16xi1>
      %parallel_loop3A_147 = tpu.scan <sum>, %parallel_loop3A_141 masked %parallel_loop3A_146 : vector<16xf32>, vector<16xi1> -> vector<16xf32>
      tpu.vector_store_idx %arg7[%parallel_loop3A_144], %parallel_loop3A_147 masked %eq3A_4 : memref<128xf32, #tpu.memory_space<vmem>>[vector<16xi32>], vector<16xf32>, vector<16xi1>
    } {sc.loop_unroll_factor = 16 : i64, sc.parallel_access}
    "tpu.region"() ({
      %run_scoped3A = tpu.sem_alloc : memref<!tpu.dma_semaphore, #tpu.memory_space<semaphore_mem>>
      %dma_start3A_88 = tpu.memref_slice %arg4[%mul3A_2] : memref<4096xf32, #tpu.memory_space<hbm>> -> memref<128xf32, #tpu.memory_space<hbm>>
      %dma_start3A_89 = tpu.memref_slice %arg4[%mul3A_2] : memref<4096xf32, #tpu.memory_space<hbm>> -> memref<128xf32, #tpu.memory_space<hbm>>
      tpu.enqueue_dma source(%arg7 : memref<128xf32, #tpu.memory_space<vmem>>) target(%dma_start3A_89 : memref<128xf32, #tpu.memory_space<hbm>>) target_semaphore(%run_scoped3A : memref<!tpu.dma_semaphore, #tpu.memory_space<semaphore_mem>>)
      %dma_wait3A_90 = tpu.memref_slice %arg4[%mul3A_2] : memref<4096xf32, #tpu.memory_space<hbm>> -> memref<128xf32, #tpu.memory_space<hbm>>
      %dma_wait3A_91 = tpu.memref_slice %arg4[%mul3A_2] : memref<4096xf32, #tpu.memory_space<hbm>> -> memref<128xf32, #tpu.memory_space<hbm>>
      tpu.wait_dma2 semaphore(%run_scoped3A : memref<!tpu.dma_semaphore, #tpu.memory_space<semaphore_mem>>) src(%arg7 : memref<128xf32, #tpu.memory_space<vmem>>) dst(%dma_wait3A_91 : memref<128xf32, #tpu.memory_space<hbm>>)
      tpu.yield
    }) : () -> ()
    return
  }
}

module attributes {stable_mosaic.version = 14 : i64} {
  func.func @_tc_body(%arg0: i32, %arg1: memref<2048x64xf32, #tpu.memory_space<vmem>>, %arg2: memref<2048x64xf32, #tpu.memory_space<vmem>>, %arg3: memref<2048xf32, #tpu.memory_space<vmem>>) attributes {dimension_semantics = [#tpu.dimension_semantics<arbitrary>], iteration_bounds = array<i64: 6>, scalar_prefetch = 0 : i64, scratch_operands = 0 : i64, tpu.core_type = #tpu.core_type<tc>, window_params = [{transform_indices = @transform_0, window_bounds = array<i64: 2048, 64>}, {transform_indices = @transform_1, window_bounds = array<i64: 2048, 64>}, {transform_indices = @transform_2, window_bounds = array<i64: 2048>}]} {
    %get3A = arith.constant 0 : index
    %get3A_0 = arith.constant 0 : index
    %get3A_1 = vector.load %arg1[%get3A, %get3A_0] : memref<2048x64xf32, #tpu.memory_space<vmem>>, vector<2048x64xf32>
    %get3A_2 = arith.constant 0 : index
    %get3A_3 = arith.constant 0 : index
    %get3A_4 = vector.load %arg2[%get3A_2, %get3A_3] : memref<2048x64xf32, #tpu.memory_space<vmem>>, vector<2048x64xf32>
    %mul3A = arith.mulf %get3A_1, %get3A_4 : vector<2048x64xf32>
    %reduce_sum3A = arith.constant dense<0.000000e+00> : vector<2048xf32>
    %reduce_sum3A_5 = vector.multi_reduction <add>, %mul3A, %reduce_sum3A [1] : vector<2048x64xf32> to vector<2048xf32>
    %swap3A = arith.constant 0 : index
    %swap3A_6 = vector.load %arg3[%swap3A] : memref<2048xf32, #tpu.memory_space<vmem>>, vector<2048xf32>
    tpu.vector_store %arg3[%swap3A], %reduce_sum3A_5 {strides = array<i32>} : memref<2048xf32, #tpu.memory_space<vmem>>, vector<2048xf32>,
    return
  }
  func.func @transform_0(%arg0: i32) -> (i32, i32) {
    %c0_i32 = arith.constant 0 : i32
    %c0_i32_0 = arith.constant 0 : i32
    return %arg0, %c0_i32 : i32, i32
  }
  func.func @transform_1(%arg0: i32) -> (i32, i32) {
    %c0_i32 = arith.constant 0 : i32
    %c0_i32_0 = arith.constant 0 : i32
    return %arg0, %c0_i32 : i32, i32
  }
  func.func @transform_2(%arg0: i32) -> i32 {
    %c0_i32 = arith.constant 0 : i32
    return %arg0 : i32
  }
}

</mosaic_0001>

<sc_bundles>
// kernel: kernel.4.cloned.1.call-start
scs
__scs_entry_jumppad:
0x0: {  	(pc) =	sbr.rel $0x88, $3  }
0x1: {  	(tag) =	ssettag $0x0;
	lr =	simm.s32 $0x1  }
0x2: {  	[smem:$0x3F9F] =	sst lr;
	_ =	strace $0xD0000000  }
0x3: {  	_ = 	snop  }
0x4: {  	_ = 	snop  }
0x5: {  	_ = 	snop  }
0x6: {  	_ = 	snop  }
0x7: {  	_ = 	snop  }
__scs_overlays_trampoline_lowered:
0x8: {  	[smem:$0x3FAE] =	sst s0  }
0x9: {  	[smem:$0x3FAF] =	sst s1  }
0xa: {  	[smem:$0x3FB0] =	sst s2  }
0xb: {  	[smem:$0x3FB1] =	sst s3  }
0xc: {  	[smem:$0x3FB2] =	sst s4  }
0xd: {  	[smem:$0x3FB3] =	sst s5  }
0xe: {  	[smem:$0x3FB4] =	sst s6  }
0xf: {  	[smem:$0x3FB5] =	sst s7  }
0x10: {  	[smem:$0x3FB6] =	sst s8  }
0x11: {  	[smem:$0x3FB7] =	sst s9;
	s0 =	simm.s32 @!p0 $0x0  }
0x12: {  	s1 =	sld [smem:$0x3F9D];
	s0 =	simm.s32 @p0 $0x1  }
0x13: {  	[smem:$0x3FB8] =	sst s0;
	s0 =	simm.s32 @!p1 $0x0  }
0x14: {  	s2 =	sld [smem:$0x3F9C];
	s0 =	simm.s32 @p1 $0x1  }
0x15: {  	[smem:$0x3FB9] =	sst s0;
	s0 =	simm.s32 @!p2 $0x0  }
0x16: {  	s3 =	sld [smem:$0x3FDB];
	s0 =	simm.s32 @p2 $0x1  }
0x17: {  	s4 =	simm.s32 $0x1BF5;
	[smem:$0x3FBB] =	sst s0  }
0x18: {  	s0 =	sld [smem:$0x3F9E];
	_ =	swait.ge [sflag:s4], $0x0  }
0x19: {  	s7 =	sld [smem:$0x3F9F]  }
0x1a: {  	s8 =	sadd.s32 $0xFFFFE003, lr  }
0x1b: {  	s9 =	sadd.s32 $0xFFFFFEF7, lr;
	s5 =	simm.s32 $0xFFFFFFFF;
	p2 =	slt.u32 s8, $0xFFFFF086  }
0x1c: {  	p1 =	slt.u32 s9, $0xF7A;
	s5 =	simm.s32 @!p2 $0x0  }
0x1d: {  	s5 =	simm.s32 @p1 $0x1;
	p0 =	seq.s32 s7, s2  }
0x1e: {  	s7 =	smul.u32 @!p0 $0xF7A, s2;
	p2 =	seq.s32 @!p0 s5, $0x0  }
0x1f: {  	s9 =	smul.u32 $0xF7A, s1;
	s8 =	simm.s32 @!p0 $0x1BF5;
	p2 =	por !p2, p0  }
0x20: {  	[sflag:s8] =	ssyncset.s32 @!p0 $0xFFFFF086;
	s6 =	sadd.s32 @!p0 s3, s7;
	s7 =	simm.s32 @!p0 $0x108  }
0x21: {  	s3 =	sadd.s32 s3, s9;
	s6 =	sadd.s32 @!p0 $0x88, s6;
	s7 =	simm.s32 @p2 $0x1082  }
0x22: {  	[simem:s7], [sflag:s8] =	dma.local @!p0 [hbm:s6], $0xF7A  }
0x23: {  	s9 =	sor.u32 $0xD0000000, s2;
	s6 =	simm.s32 $0x108;
	_ =	swait.ge @!p0 [sflag:s8], $0x0  }
0x24: {  	s3 =	sadd.s32 $0x88, s3;
	s6 =	simm.s32 @!p1 $0x1082;
	[sflag:s4] =	ssyncset.s32 $0xFFFFF086  }
0x25: {  	[simem:s6], [sflag:s4] =	dma.local [hbm:s3], $0xF7A  }
0x26: {  	[smem:$0x3F9F] =	sst s1;
	(tag) =	ssettag s2;
	_ =	strace s9  }
0x27: {  	s1 =	sld [smem:$0x3FAF]  }
0x28: {  	s2 =	sld [smem:$0x3FB0]  }
0x29: {  	s4 =	sld [smem:$0x3FB2]  }
0x2a: {  	p0 =	seq.s32 s5, $0x0;
	s5 =	sld [smem:$0x3FB3]  }
0x2b: {  	s6 =	sld [smem:$0x3FB4]  }
0x2c: {  	s7 =	sld [smem:$0x3FB5]  }
0x2d: {  	s3 =	simm.s32 $0x108;
	s8 =	sld [smem:$0x3FB6]  }
0x2e: {  	s3 =	simm.s32 @!p0 $0x1082;
	s9 =	sld [smem:$0x3FB7]  }
0x2f: {  	lr =	sadd.s32 s0, s3;
	s0 =	sld [smem:$0x3FAE]  }
0x30: {  	s3 =	sld [smem:$0x3FB1]  }
0x31: {  	[smem:$0x3FBA] =	sst s10  }
0x32: {  	s10 =	sld [smem:$0x3FB8];
	_ =	sdelay $0x3  }
0x33: {  	p0 =	seq.s32 s10, $0x1;
	s10 =	sld [smem:$0x3FBA];
	_ =	sdelay $0x3  }
0x34: {  	[smem:$0x3FBA] =	sst s10  }
0x35: {  	s10 =	sld [smem:$0x3FB9];
	_ =	sdelay $0x3  }
0x36: {  	p1 =	seq.s32 s10, $0x1;
	s10 =	sld [smem:$0x3FBA];
	_ =	sdelay $0x3  }
0x37: {  	[smem:$0x3FBA] =	sst s10  }
0x38: {  	s10 =	sld [smem:$0x3FBB]  }
0x39: {  	_ = 	snop;
	(pc) =	sbr.ind lr, $3  }
0x3a: {  	_ = 	snop  }
0x3b: {  	_ = 	snop  }
0x3c: {  	p2 =	seq.s32 s10, $0x1;
	s10 =	sld [smem:$0x3FBA]  }
0x3d: {  	_ =	shalt  }
0x3e: {  	_ =	shalt  }
0x3f: {  	_ =	shalt  }
0x40: {  	_ =	shalt  }
0x41: {  	_ =	shalt  }
0x42: {  	_ =	shalt  }
0x43: {  	_ =	shalt  }
0x44: {  	_ =	shalt  }
0x45: {  	_ =	shalt  }
0x46: {  	_ =	shalt  }
0x47: {  	_ =	shalt  }
0x48: {  	_ =	shalt  }
0x49: {  	_ =	shalt  }
0x4a: {  	_ =	shalt  }
0x4b: {  	_ =	shalt  }
0x4c: {  	_ =	shalt  }
0x4d: {  	_ =	shalt  }
0x4e: {  	_ =	shalt  }
0x4f: {  	_ =	shalt  }
0x50: {  	_ =	shalt  }
0x51: {  	_ =	shalt  }
0x52: {  	_ =	shalt  }
0x53: {  	_ =	shalt  }
0x54: {  	_ =	shalt  }
0x55: {  	_ =	shalt  }
0x56: {  	_ =	shalt  }
0x57: {  	_ =	shalt  }
0x58: {  	_ =	shalt  }
0x59: {  	_ =	shalt  }
0x5a: {  	_ =	shalt  }
0x5b: {  	_ =	shalt  }
0x5c: {  	_ =	shalt  }
0x5d: {  	_ =	shalt  }
0x5e: {  	_ =	shalt  }
0x5f: {  	_ =	shalt  }
0x60: {  	_ =	shalt  }
0x61: {  	_ =	shalt  }
0x62: {  	_ =	shalt  }
0x63: {  	_ =	shalt  }
0x64: {  	_ =	shalt  }
0x65: {  	_ =	shalt  }
0x66: {  	_ =	shalt  }
0x67: {  	_ =	shalt  }
0x68: {  	_ =	shalt  }
0x69: {  	_ =	shalt  }
0x6a: {  	_ =	shalt  }
0x6b: {  	_ =	shalt  }
0x6c: {  	_ =	shalt  }
0x6d: {  	_ =	shalt  }
0x6e: {  	_ =	shalt  }
0x6f: {  	_ =	shalt  }
0x70: {  	_ =	shalt  }
0x71: {  	_ =	shalt  }
0x72: {  	_ =	shalt  }
0x73: {  	_ =	shalt  }
0x74: {  	_ =	shalt  }
0x75: {  	_ =	shalt  }
0x76: {  	_ =	shalt  }
0x77: {  	_ =	shalt  }
0x78: {  	_ =	shalt  }
0x79: {  	_ =	shalt  }
0x7a: {  	_ =	shalt  }
0x7b: {  	_ =	shalt  }
0x7c: {  	_ =	shalt  }
0x7d: {  	_ =	shalt  }
0x7e: {  	_ =	shalt  }
0x7f: {  	_ =	shalt  }
0x80: {  	_ =	shalt  }
0x81: {  	_ =	shalt  }
0x82: {  	_ =	shalt  }
0x83: {  	_ =	shalt  }
0x84: {  	_ =	shalt  }
0x85: {  	_ =	shalt  }
0x86: {  	_ =	shalt  }
0x87: {  	_ =	shalt  }
.Lfunc_end0:
.L_simem_size_0:
called_computation_lowered:
.L_overlay_start_0:
0x88: {  	s2 =	sld [smem:$0x3FD9]  }
0x89: {  	s3 =	sld [smem:$0x3FFE];
	_ =	sdelay $0x1  }
0x8a: {  	s1 =	srdreg.scid  }
0x8b: {  	s0 =	sand.u32 $0x1, s1  }
0x8c: {  	s16 =	sshll.u32 s0, $0xA;
	s2 =	sadd.s32 s3, s2  }
0x8d: {  	s2 =	sadd.s32 s2, s16  }
0x8e: {  	[smem:$0x3FC6] =	sst s2  }
0x8f: {  	_ = 	snop  }
0x90: {  	(tm) =	ssettm $0x1  }
0x91: {  	s17 =	sld [smem:$0x3FFB];
	_ =	sdelay $0x3  }
0x92: {  	_ =	strace s17  }
0x93: {  	s2 =	sld [smem:$0x3FFC];
	_ =	sdelay $0x3  }
0x94: {  	_ =	strace s2  }
0x95: {  	s2 =	sld [smem:$0x3FFD];
	_ =	sdelay $0x3  }
0x96: {  	_ =	strace s2  }
0x97: {  	_ =	strace $0x8FFFFFFF  }
0x98: {  	s18 =	sld [smem:$0x3FDB];
	_ =	sdelay $0x1  }
0x99: {  	s19 =	simm.s32 $_scs_section_size  }
0x9a: {  	s4 =	simm.s32 $_size__tile_overlayer_lowered;
	s5 =	simm.s32 $_tile_overlayer_lowered  }
0x9b: {  	s22 =	simm.s32 $0x1BFF;
	s21 =	sshll.u32 s5, $0x1;
	s2 =	sadd.s32 s19, s18  }
0x9c: {  	s6 =	simm.s32 $0x0;
	s20 =	sshll.u32 s4, $0x1;
	s4 =	sadd.s32 s21, s2  }
0x9d: {  	[timem:s6], [sflag:s22] =	dma.local [hbm:s4], s20  }
0x9e: {  	_ =	swait.ge [sflag:s22], s20  }
0x9f: {  	s3 =	ssub.s32 $0x0, s20;
	[sflag:s22] =	ssyncset.done $0x0  }
0xa0: {  	[sflag:s22] =	ssyncadd.s32 s3;
	_ =	sdelay $0x1  }
0xa1: {  	s23 =	simm.s32 $0x1B8B  }
0xa2: {  	_ =	swait.ge [sflag:s23], $0x1  }
0xa3: {  	[sflag:s23] =	ssyncset.done $0x0  }
0xa4: {  	s25 =	simm.s32 $0x1B8E;
	s24 =	sld [smem:$0x3FFE];
	[sflag:s23] =	ssyncadd.s32 $0xFFFFFFFF  }
0xa5: {  	s26 =	simm.s32 $execute0_lowered;
	[smem:$0x3FD2] =	sst s25  }
0xa6: {  	s4 =	sshll.u32 s26, $0x1;
	_ =	strace $0x80000046;
	[dreg:$0x1] =	wrdreg $0xFFFFFFFF  }
0xa7: {  	s28 =	simm.s32 $_size_execute0_lowered;
	s2 =	sadd.s32 s2, s4;
	[dreg:$0x0] =	wrdreg $0x0  }
0xa8: {  	s4 =	sshll.u32 s28, $0x1;
	[dreg:$0x2] =	wrdreg s2  }
0xa9: {  	[dreg:$0x3] =	wrdreg s4  }
0xaa: {  	[dreg:$0x4] =	wrdreg $0xC0  }
0xab: {  	_ =	task [dreg:s6], $0x5FFFF  }
0xac: {  	[dreg:$0x1] =	wrdreg $0xFFFFFFFF  }
0xad: {  	[dreg:$0x0] =	wrdreg $0x60  }
0xae: {  	[dreg:$0x2] =	wrdreg s24  }
0xaf: {  	[dreg:$0x3] =	wrdreg $0x9  }
0xb0: {  	_ =	task.clear_ibuf [dreg:s6], $0x4FFFF;
	_ =	strace $0x90000046  }
0xb1: {  	s29 =	simm.s32 $0x9;
	_ =	strace $0x80000048  }
0xb2: {  	_ =	swait.ge [sflag:s29], $0x1  }
0xb3: {  	[sflag:s29] =	ssyncadd.s32 $0xFFFFFFFF  }
0xb4: {  	_ =	strace $0x90000048  }
0xb5: {  	_ =	sfence  }
0xb6: {  	s30 =	sld [smem:$0x0];
	_ =	sdelay $0x2  }
0xb7: {  	s31 =	sshll.u32 s1, $0xD;
	s1 =	sshrl.u32 s1, $0x2  }
0xb8: {  	s3 =	sand.u32 $0x4000, s31;
	s1 =	sadd.s32 s1, s30  }
0xb9: {  	s0 =	sor.u32 s3, s0;
	s1 =	sshll.u32 s1, $0x11  }
0xba: {  	s0 =	sor.u32 s1, s0  }
0xbb: {  	s0 =	sadd.s32 $0x8F2B, s0  }
0xbc: {  	[sflag:s0] =	ssyncadd.remote.s32 $0x1  }
0xbd: {  	_ =	sfence.sel $0xFFFF  }
0xbe: {  	[dreg:$0x0] =	wrdreg $0xFFFFFFFF;
	(pc) =	sbr.abs _section_cstart, $3  }
0xbf: {  	[dreg:$0x1] =	wrdreg $0xFFFFFFFF  }
0xc0: {  	_ =	task.clear_ibuf [dreg:s6], $0x2FFFF;
	_ =	strace $0x9FFFFFFF  }
0xc1: {  	(tm) =	ssettm $0x7FFFFFFF  }
tec
execute0_lowered:
.L_overlay_start_1:
0x0: {  	(tag) =	ssettag $0x1  }
0x1: {  	s3 =	rddreg [dreg:$0x0]  }
0x2: {  	s0 =	rddreg [dreg:$0x1];
	s2 =	simm.s32 $0x0  }
0x3: {  	s4 =	srdreg.scid;
	s1 =	stileid.u32;
	s11 =	simm.s32 $0x2  }
0x4: {  	s12 =	simm.s32 $0x3;
	s13 =	simm.s32 $0x0;
	[smem:$0x7FF] =	sst s2  }
0x5: {  	s4 =	sand.u32 $0x1, s4;
	s5 =	sshll.u32 s1, $0x1;
	s6 =	sadd.s32 $0x1000, s3  }
0x6: {  	vm0 =	vcmask $0x3F3C;
	s7 =	sadd.s32 $0x9000, s3;
	s5 =	sor.u32 s4, s5;
	s4 =	ssub.s32 $0x2, s4  }
0x7: {  	_ =	strace $0x80000047;
	s8 =	sshll.u32 s5, $0x4;
	s9 =	sshrl.u32 s4, $0x1  }
0x8: {  	s5 =	sshll.u32 s5, $0xA;
	s8 =	sadd.s32 s8, s3;
	s9 =	ssub.s32 s4, s9  }
0x9: {  	s3 =	sadd.s32 s6, s5;
	s4 =	sadd.s32 s7, s5;
	s10 =	sor.u32 $0x200, s5  }
0xa: {  	s5 =	sadd.s32 s6, s10;
	s6 =	sadd.s32 s7, s10;
	s7 =	sadd.s32 $0x11000, s8  }
0xb: {  	s8 =	smax.u32 s9, $0x1;
	s9 =	simm.s32 $0x1;
	s10 =	simm.s32 $0x4000  }
.LBB2_1:
0xc: {  	s14 =	simm.s32 $0x10  }
0xd: {  	s17 =	sadd.s32 $0x0, s3;
	s15 =	simm.s32 $0x100;
	s16 =	simm.s32 $0x0  }
.LBB2_2:
0xe: {  	[tilespmem:s16], [sflag:$0x1] =	stream.linear.gather [hbm4b:s17+s2], $0x80, $0x38;
	[tilespmem:$0x4080] =	vst v63  }
0xf: {  	s17 =	smov.u32 s14;
	s16 =	smov.u32 s15;
	p0 =	sne.s32 s14, $0x1F0  }
.Ltmp0:
0x10: {  	s14 =	sadd.s32 $0x10, s14;
	(pc) =	sbr.rel @p0 .LBB2_2-.Ltmp0, $2  }
0x11: {  	_ =	sdelay $0x2  }
0x12: {  	s15 =	sadd.s32 $0x100, s15;
	s17 =	sadd.s32 s17, s3  }
0x13: {  	[tilespmem:s16], [sflag:$0x1] =	stream.linear.gather [hbm4b:s17+s2], $0x80, $0x38;
	[tilespmem:$0x4080] =	vst v63  }
0x14: {  	s14 =	simm.s32 $0x2000  }
0x15: {  	s15 =	simm.s32 $0x10;
	s17 =	sadd.s32 $0x0, s4;
	s16 =	simm.s32 $0x2100  }
.LBB2_4:
0x16: {  	[tilespmem:s14], [sflag:$0x1] =	stream.linear.gather [hbm4b:s17+s2], $0x80, $0x38;
	[tilespmem:$0x4080] =	vst v63  }
0x17: {  	s17 =	smov.u32 s15;
	s14 =	smov.u32 s16;
	p0 =	sne.s32 s15, $0x1F0  }
.Ltmp1:
0x18: {  	s15 =	sadd.s32 $0x10, s15;
	(pc) =	sbr.rel @p0 .LBB2_4-.Ltmp1, $2  }
0x19: {  	_ =	sdelay $0x2  }
0x1a: {  	s16 =	sadd.s32 $0x100, s16;
	s17 =	sadd.s32 s17, s4  }
0x1b: {  	[tilespmem:s14], [sflag:$0x1] =	stream.linear.gather [hbm4b:s17+s2], $0x80, $0x38;
	[tilespmem:$0x4080] =	vst v63  }
0x1c: {  	s14 =	simm.s32 $0x80  }
0x1d: {  	s15 =	simm.s32 $0x10;
	s17 =	sadd.s32 $0x0, s5;
	s16 =	simm.s32 $0x180  }
.LBB2_6:
0x1e: {  	[tilespmem:s14], [sflag:$0x2] =	stream.linear.gather [hbm4b:s17+s2], $0x80, $0x38;
	[tilespmem:$0x4080] =	vst v63  }
0x1f: {  	s17 =	smov.u32 s15;
	s14 =	smov.u32 s16;
	p0 =	sne.s32 s15, $0x1F0  }
.Ltmp2:
0x20: {  	s15 =	sadd.s32 $0x10, s15;
	(pc) =	sbr.rel @p0 .LBB2_6-.Ltmp2, $2  }
0x21: {  	_ =	sdelay $0x2  }
0x22: {  	s16 =	sadd.s32 $0x100, s16;
	s17 =	sadd.s32 s17, s5  }
0x23: {  	[tilespmem:s14], [sflag:$0x2] =	stream.linear.gather [hbm4b:s17+s2], $0x80, $0x38;
	[tilespmem:$0x4080] =	vst v63  }
0x24: {  	s14 =	simm.s32 $0x2080  }
0x25: {  	s15 =	simm.s32 $0x10;
	s17 =	sadd.s32 $0x0, s6;
	s16 =	simm.s32 $0x2180  }
.LBB2_8:
0x26: {  	[tilespmem:s14], [sflag:$0x2] =	stream.linear.gather [hbm4b:s17+s2], $0x80, $0x38;
	[tilespmem:$0x4080] =	vst v63  }
0x27: {  	s17 =	smov.u32 s15;
	s14 =	smov.u32 s16;
	p0 =	sne.s32 s15, $0x1F0  }
.Ltmp3:
0x28: {  	s15 =	sadd.s32 $0x10, s15;
	(pc) =	sbr.rel @p0 .LBB2_8-.Ltmp3, $2  }
0x29: {  	_ =	sdelay $0x2  }
0x2a: {  	s16 =	sadd.s32 $0x100, s16;
	s17 =	sadd.s32 s17, s6  }
0x2b: {  	[tilespmem:s14], [sflag:$0x2] =	stream.linear.gather [hbm4b:s17+s2], $0x80, $0x38;
	[tilespmem:$0x4080] =	vst v63  }
0x2c: {  	_ =	swait.ge [sflag:s9], $0x1000  }
0x2d: {  	[sflag:s9] =	ssyncset.done $0x0  }
0x2e: {  	[sflag:s9] =	ssyncadd.s32 $0xFFFFF000  }
0x2f: {  	_ =	swait.ge [sflag:s9], $0x1000  }
0x30: {  	[sflag:s9] =	ssyncset.done $0x0  }
0x31: {  	s15 =	simm.s32 $0x400;
	[sflag:s9] =	ssyncadd.s32 $0xFFFFF000  }
0x32: {  	v1 =	vld [tilespmem:s15+$0x340]  }
0x33: {  	s24 =	simm.s32 $0x2400;
	v0 =	vld [tilespmem:s15+$0x370]  }
0x34: {  	v2 =	vld [tilespmem:s24+$0x340]  }
0x35: {  	v3 =	vld [tilespmem:s15+$0x350]  }
0x36: {  	v4 =	vld [tilespmem:s24+$0x350]  }
0x37: {  	v62 =	vld [tilespmem:s15+$0x360]  }
0x38: {  	v6 =	vld [tilespmem:s24+$0x360];
	[tilespmem:$0x1FEA0] =	vst v0  }
0x39: {  	v0 =	vld [tilespmem:s24+$0x370];
	_ =	sdelay $0x4  }
0x3a: {  	[tilespmem:$0x1FEB0] =	vst v0  }
0x3b: {  	v0 =	vld [tilespmem:s24+$0xFFFFFC00];
	_ =	sdelay $0x4  }
0x3c: {  	[tilespmem:$0x1FEC0] =	vst v0  }
0x3d: {  	v9 =	vld [tilespmem:s15+$0xFFFFFC10]  }
0x3e: {  	v10 =	vld [tilespmem:s24+$0xFFFFFC10]  }
0x3f: {  	v11 =	vld [tilespmem:s15+$0xFFFFFC40]  }
0x40: {  	v12 =	vld [tilespmem:s24+$0xFFFFFC40]  }
0x41: {  	v13 =	vld [tilespmem:s15+$0xFFFFFC50]  }
0x42: {  	v14 =	vld [tilespmem:s24+$0xFFFFFC50]  }
0x43: {  	v15 =	vld [tilespmem:s15+$0xFFFFFD00]  }
0x44: {  	v16 =	vld [tilespmem:s24+$0xFFFFFD00]  }
0x45: {  	v17 =	vld [tilespmem:s15+$0xFFFFFD10]  }
0x46: {  	v18 =	vld [tilespmem:s24+$0xFFFFFD10]  }
0x47: {  	v19 =	vld [tilespmem:s15+$0xFFFFFD40]  }
0x48: {  	v20 =	vld [tilespmem:s24+$0xFFFFFD40]  }
0x49: {  	v21 =	vld [tilespmem:s15+$0xFFFFFD50]  }
0x4a: {  	v22 =	vld [tilespmem:s24+$0xFFFFFD50]  }
0x4b: {  	v23 =	vld [tilespmem:s15+$0xFFFFFE00]  }
0x4c: {  	v24 =	vld [tilespmem:s24+$0xFFFFFE00]  }
0x4d: {  	v25 =	vld [tilespmem:s15+$0xFFFFFE10]  }
0x4e: {  	v26 =	vld [tilespmem:s24+$0xFFFFFE10]  }
0x4f: {  	v27 =	vld [tilespmem:s15+$0xFFFFFE40]  }
0x50: {  	v28 =	vld [tilespmem:s24+$0xFFFFFE40]  }
0x51: {  	v29 =	vld [tilespmem:s15+$0xFFFFFE50]  }
0x52: {  	v30 =	vld [tilespmem:s24+$0xFFFFFE50]  }
0x53: {  	v31 =	vld [tilespmem:s15+$0xFFFFFF00]  }
0x54: {  	v32 =	vld [tilespmem:s24+$0xFFFFFF00]  }
0x55: {  	v33 =	vld [tilespmem:s15+$0xFFFFFF10]  }
0x56: {  	v34 =	vld [tilespmem:s24+$0xFFFFFF10]  }
0x57: {  	v35 =	vld [tilespmem:s15+$0xFFFFFF40]  }
0x58: {  	v36 =	vld [tilespmem:s24+$0xFFFFFF40]  }
0x59: {  	v37 =	vld [tilespmem:s15+$0xFFFFFF50]  }
0x5a: {  	v38 =	vld [tilespmem:s24+$0xFFFFFF50]  }
0x5b: {  	v39 =	vld [tilespmem:s15+$0x0]  }
0x5c: {  	v40 =	vld [tilespmem:s24+$0x0]  }
0x5d: {  	v41 =	vld [tilespmem:s15+$0x10]  }
0x5e: {  	v42 =	vld [tilespmem:s24+$0x10]  }
0x5f: {  	v43 =	vld [tilespmem:s15+$0x40]  }
0x60: {  	v44 =	vld [tilespmem:s24+$0x40]  }
0x61: {  	v45 =	vld [tilespmem:s15+$0x50]  }
0x62: {  	v46 =	vld [tilespmem:s24+$0x50]  }
0x63: {  	v47 =	vld [tilespmem:s15+$0x100]  }
0x64: {  	v48 =	vld [tilespmem:s24+$0x100]  }
0x65: {  	v49 =	vld [tilespmem:s15+$0x110]  }
0x66: {  	v50 =	vld [tilespmem:s24+$0x110]  }
0x67: {  	v51 =	vld [tilespmem:s15+$0x140]  }
0x68: {  	v52 =	vld [tilespmem:s24+$0x140]  }
0x69: {  	v53 =	vld [tilespmem:s15+$0x150]  }
0x6a: {  	v54 =	vld [tilespmem:s24+$0x150]  }
0x6b: {  	v55 =	vld [tilespmem:s15+$0x200]  }
0x6c: {  	v0 =	vld [tilespmem:s15+$0x250]  }
0x6d: {  	v56 =	vld [tilespmem:s24+$0x200]  }
0x6e: {  	v57 =	vld [tilespmem:s15+$0x210]  }
0x6f: {  	v58 =	vld [tilespmem:s24+$0x210]  }
0x70: {  	v59 =	vld [tilespmem:s15+$0x240]  }
0x71: {  	v60 =	vld [tilespmem:s24+$0x240];
	[tilespmem:$0x1FED0] =	vst v0  }
0x72: {  	v0 =	vld [tilespmem:s24+$0x250];
	_ =	sdelay $0x4  }
0x73: {  	[tilespmem:$0x1FEE0] =	vst v0  }
0x74: {  	v0 =	vld [tilespmem:s15+$0x300];
	_ =	sdelay $0x4  }
0x75: {  	[tilespmem:$0x1FEF0] =	vst v0  }
0x76: {  	v0 =	vld [tilespmem:s24+$0x300];
	_ =	sdelay $0x4  }
0x77: {  	[tilespmem:$0x1FF00] =	vst v0  }
0x78: {  	v0 =	vld [tilespmem:s15+$0x310];
	_ =	sdelay $0x4  }
0x79: {  	[tilespmem:$0x1FF10] =	vst v0  }
0x7a: {  	v0 =	vld [tilespmem:s24+$0x310];
	_ =	sdelay $0x4  }
0x7b: {  	[tilespmem:$0x1FF20] =	vst v0  }
0x7c: {  	v7 =	vld [tilespmem:s15+$0xFFFFFC60];
	_ =	sdelay $0x2  }
0x7d: {  	v0 =	vld [tilespmem:s15+$0xFFFFFC00]  }
0x7e: {  	v61 =	vld [tilespmem:s15+$0xFFFFFC20]  }
0x7f: {  	v5 =	vld [tilespmem:s24+$0xFFFFFC20];
	[tilespmem:$0x1FF30] =	vst v7  }
0x80: {  	v7 =	vld [tilespmem:s15+$0xFFFFFD20];
	_ =	sdelay $0x4  }
0x81: {  	v63 =	vld [tilespmem:s24+$0xFFFFFC60];
	[tilespmem:$0x1FF40] =	vst v7  }
0x82: {  	v8 =	vld [tilespmem:s15+$0xFFFFFD60];
	_ =	sdelay $0x4  }
0x83: {  	v7 =	vld [tilespmem:s24+$0xFFFFFD20];
	[tilespmem:$0x1FF50] =	vst v8  }
0x84: {  	v8 =	vld [tilespmem:s24+$0xFFFFFD60];
	_ =	sdelay $0x4  }
0x85: {  	[tilespmem:$0x1FF60] =	vst v8  }
0x86: {  	v8 =	vld [tilespmem:s15+$0xFFFFFE20];
	_ =	sdelay $0x4  }
0x87: {  	[tilespmem:$0x1FF70] =	vst v8  }
0x88: {  	v8 =	vld [tilespmem:s24+$0xFFFFFE20];
	_ =	sdelay $0x4  }
0x89: {  	[tilespmem:$0x1FF80] =	vst v8  }
0x8a: {  	v8 =	vld [tilespmem:s15+$0xFFFFFE60];
	_ =	sdelay $0x4  }
0x8b: {  	[tilespmem:$0x1FF90] =	vst v8  }
0x8c: {  	v8 =	vld [tilespmem:s24+$0xFFFFFE60];
	_ =	sdelay $0x4  }
0x8d: {  	[tilespmem:$0x1FFA0] =	vst v8  }
0x8e: {  	v8 =	vld [tilespmem:s15+$0xFFFFFF20];
	_ =	sdelay $0x4  }
0x8f: {  	[tilespmem:$0x1FFB0] =	vst v8  }
0x90: {  	v8 =	vld [tilespmem:s24+$0xFFFFFF20];
	_ =	sdelay $0x4  }
0x91: {  	[tilespmem:$0x1FFC0] =	vst v8  }
0x92: {  	v8 =	vld [tilespmem:s15+$0xFFFFFF60];
	_ =	sdelay $0x1  }
0x93: {  	v1 =	vmul.f32 v2, v1  }
0x94: {  	v2 =	vmul.f32 v4, v3;
	v51 =	vmul.f32 v52, v51  }
0x95: {  	v52 =	vmul.f32 v54, v53;
	v53 =	vmul.f32 v56, v55;
	v56 =	vld [tilespmem:$0x1FEC0]  }
0x96: {  	v1 =	vadd.f32 v2, v1;
	v2 =	vmul.f32 v6, v62;
	[tilespmem:$0x1FFD0] =	vst v8  }
0x97: {  	v8 =	vld [tilespmem:s24+$0xFFFFFF60]  }
0x98: {  	v1 =	vadd.f32 v2, v1;
	v2 =	vld [tilespmem:$0x1FEA0]  }
0x99: {  	v54 =	vmul.f32 v58, v57;
	v57 =	vld [tilespmem:$0x1FEE0]  }
0x9a: {  	v9 =	vmul.f32 v10, v9;
	v58 =	vld [tilespmem:$0x1FF00];
	v0 =	vmul.f32 v56, v0  }
0x9b: {  	v55 =	vmul.f32 v60, v59;
	v60 =	vld [tilespmem:$0x1FF10]  }
0x9c: {  	v44 =	vmul.f32 v44, v43;
	v5 =	vmul.f32 v5, v61;
	v43 =	vld [tilespmem:$0x1FF30];
	v0 =	vadd.f32 v9, v0;
	[tilespmem:$0x1FFE0] =	vst v8  }
0x9d: {  	v48 =	vmul.f32 v48, v47;
	v50 =	vmul.f32 v50, v49;
	v8 =	vld [tilespmem:s15+$0x20]  }
0x9e: {  	v11 =	vmul.f32 v12, v11;
	v12 =	vmul.f32 v14, v13;
	v0 =	vadd.f32 v5, v0;
	v5 =	vld [tilespmem:$0x1FF50]  }
0x9f: {  	v14 =	vmul.f32 v18, v17;
	v18 =	vmul.f32 v26, v25;
	v26 =	vadd.f32 v50, v48;
	v48 =	vld [tilespmem:$0x1FF80]  }
0xa0: {  	v11 =	vadd.f32 v12, v11;
	v50 =	vld [tilespmem:$0x1FFA0]  }
0xa1: {  	v12 =	vmul.f32 v20, v19;
	v20 =	vmul.f32 v30, v29;
	v30 =	vadd.f32 v54, v53;
	v54 =	vld [tilespmem:$0x1FFE0]  }
0xa2: {  	[tilespmem:$0x1FFF0] =	vst v8;
	v8 =	vld [tilespmem:$0x1FEB0]  }
0xa3: {  	v3 =	vld [tilespmem:s24+$0x20]  }
0xa4: {  	v4 =	vld [tilespmem:s15+$0x60]  }
0xa5: {  	v6 =	vld [tilespmem:s24+$0x60]  }
0xa6: {  	v62 =	vld [tilespmem:s15+$0x120]  }
0xa7: {  	v10 =	vld [tilespmem:s24+$0x120]  }
0xa8: {  	v13 =	vld [tilespmem:s15+$0x160]  }
0xa9: {  	v17 =	vld [tilespmem:s15+$0x220]  }
0xaa: {  	v19 =	vld [tilespmem:s24+$0x220]  }
0xab: {  	v25 =	vld [tilespmem:s15+$0x320]  }
0xac: {  	v29 =	vld [tilespmem:s15+$0xFFFFFC30]  }
0xad: {  	v59 =	vld [tilespmem:s24+$0xFFFFFD30]  }
0xae: {  	v9 =	vld [tilespmem:s15+$0xFFFFFD70]  }
0xaf: {  	v46 =	vmul.f32 v46, v45;
	v45 =	vld [tilespmem:s24+$0xFFFFFD70]  }
0xb0: {  	v47 =	vld [tilespmem:s15+$0xFFFFFE30];
	v2 =	vmul.f32 v8, v2  }
0xb1: {  	v49 =	vld [tilespmem:s24+$0xFFFFFE30]  }
0xb2: {  	v53 =	vld [tilespmem:s15+$0xFFFFFE70];
	v1 =	vadd.f32 v2, v1;
	v2 =	vmul.f32 v16, v15  }
0xb3: {  	v56 =	vld [tilespmem:s15+$0xFFFFFF30]  }
0xb4: {  	v2 =	vadd.f32 v14, v2;
	v14 =	vmul.f32 v24, v23;
	v24 =	vadd.f32 v46, v44;
	v44 =	vld [tilespmem:$0x1FF40]  }
0xb5: {  	v61 =	vld [tilespmem:s15+$0x230]  }
0xb6: {  	v8 =	vld [tilespmem:$0x1FED0]  }
0xb7: {  	v15 =	vld [tilespmem:s24+$0x160]  }
0xb8: {  	v46 =	vld [tilespmem:$0x1FF60]  }
0xb9: {  	v16 =	vmul.f32 v22, v21;
	v21 =	vld [tilespmem:s15+$0x260];
	v7 =	vmul.f32 v7, v44  }
0xba: {  	v22 =	vmul.f32 v34, v33;
	v33 =	vld [tilespmem:s15+$0xFFFFFC70]  }
0xbb: {  	v2 =	vadd.f32 v7, v2;
	v7 =	vld [tilespmem:$0x1FF70]  }
0xbc: {  	v12 =	vadd.f32 v16, v12;
	v16 =	vmul.f32 v28, v27;
	v28 =	vadd.f32 v52, v51;
	v51 =	vld [tilespmem:$0x1FFB0]  }
0xbd: {  	v52 =	vld [tilespmem:$0x1FFC0];
	v5 =	vmul.f32 v46, v5  }
0xbe: {  	v38 =	vmul.f32 v38, v37;
	v14 =	vadd.f32 v18, v14;
	v18 =	vmul.f32 v32, v31;
	v31 =	vld [tilespmem:s24+$0xFFFFFC30]  }
0xbf: {  	v42 =	vmul.f32 v42, v41;
	v34 =	vmul.f32 v57, v8;
	v5 =	vadd.f32 v5, v12;
	v12 =	vld [tilespmem:$0x1FF90]  }
0xc0: {  	v16 =	vadd.f32 v20, v16;
	v20 =	vmul.f32 v36, v35;
	v36 =	vld [tilespmem:s15+$0xFFFFFD30];
	v7 =	vmul.f32 v48, v7  }
0xc1: {  	v10 =	vmul.f32 v10, v62;
	(xrf2) =	vadd.scan.msk.f32 $0xffff, v1;
	v1 =	vmul.f32 v6, v4;
	v35 =	vld [tilespmem:s24+$0xFFFFFC70]  }
0xc2: {  	v32 =	vadd.f32 v34, v55;
	v34 =	vmul.f32 v63, v43;
	v7 =	vadd.f32 v7, v14;
	v14 =	vld [tilespmem:$0x1FFD0]  }
0xc3: {  	v23 =	vld [tilespmem:s24+$0x260];
	v13 =	vmul.f32 v15, v13;
	v18 =	vadd.f32 v22, v18;
	v22 =	vmul.f32 v40, v39  }
0xc4: {  	v8 =	vld [tilespmem:$0x1FEF0];
	v11 =	vadd.f32 v34, v11;
	v40 =	vmul.f32 v52, v51;
	v12 =	vmul.f32 v50, v12  }
0xc5: {  	v22 =	vadd.f32 v42, v22;
	v42 =	vld [tilespmem:$0x1FF20];
	v29 =	vmul.f32 v31, v29;
	v6 =	vmul.f32 v59, v36  }
0xc6: {  	v27 =	vld [tilespmem:s24+$0x320];
	v12 =	vadd.f32 v12, v16;
	v16 =	vadd.f32 v40, v18;
	v18 =	vmul.f32 v35, v33  }
0xc7: {  	v55 =	vld [tilespmem:s24+$0xFFFFFE70];
	v20 =	vadd.f32 v38, v20;
	v0 =	vadd.f32 v29, v0;
	v14 =	vmul.f32 v54, v14  }
0xc8: {  	v15 =	vld [tilespmem:s24+$0x30];
	v2 =	vadd.f32 v6, v2;
	v6 =	vmul.f32 v45, v9;
	v4 =	vadd.f32 v18, v11  }
0xc9: {  	s17 =	simm.s32 $0x0;
	v8 =	vmul.f32 v58, v8;
	v9 =	vadd.f32 v10, v26;
	(xrf2) =	vadd.scan.msk.f32 $0xffff, v0;
	v14 =	vadd.f32 v14, v20;
	v20 =	vld [tilespmem:$0x1FFF0]  }
0xca: {  	s16 =	simm.s32 $0xF;
	v63 =	vld [tilespmem:s24+$0x230];
	v38 =	vmul.f32 v42, v60;
	v5 =	vadd.f32 v6, v5;
	v6 =	vmov s17;
	(xrf2) =	vadd.scan.msk.f32 $0xffff, v4  }
0xcb: {  	s25 =	simm.s32 $0x1;
	v58 =	vld [tilespmem:s15+$0x170];
	v10 =	vmov s16;
	v6 =	vand.u32 $0xFFFFFFF0, v6;
	v18 =	vmul.f32 v49, v47  }
0xcc: {  	v0 =	vld [tilespmem:s24+$0xFFFFFF70];
	v8 =	vadd.f32 v38, v8;
	(xrf2) =	vadd.scan.msk.f32 $0xffff, v2;
	v2 =	vmul.f32 v19, v17;
	v17 =	vmov s25  }
0xcd: {  	v6 =	vbroadcast v6, $0x0;
	v11 =	vld [tilespmem:s15+$0xFFFFFF70];
	v7 =	vadd.f32 v18, v7;
	v17 =	vand.u32 $0xFFFFFFF1, v17  }
0xce: {  	s26 =	simm.s32 $0x2;
	(xrf2) =	vadd.scan.msk.f32 $0xffff, v5;
	v57 =	vadd.f32 v2, v30;
	v2 =	vmul.f32 v27, v25;
	v3 =	vmul.f32 v3, v20;
	v20 =	vld [tilespmem:s24+$0xFFFFFF30]  }
0xcf: {  	v4 =	vld [tilespmem:s15+$0x30];
	v5 =	vmul.f32 v23, v21;
	v21 =	vmov s26;
	v17 =	vbroadcast v17, $0x0  }
0xd0: {  	s28 =	simm.s32 $0x3;
	v19 =	vld [tilespmem:s24+$0x70];
	v21 =	vand.u32 $0xFFFFFFF2, v21;
	v2 =	vadd.f32 v2, v8;
	v8 =	vmul.f32 v55, v53  }
0xd1: {  	(xrf2) =	vadd.scan.msk.f32 $0xffff, v7;
	v7 =	vbroadcast v21, $0x0;
	v21 =	vmov s28;
	v3 =	vadd.f32 v3, v22;
	v22 =	vld [tilespmem:s15+$0x70]  }
0xd2: {  	s29 =	simm.s32 $0x4;
	v60, _, _ =	vpop (xrf2);
	v18 =	vld [tilespmem:s15+$0x130];
	v21 =	vand.u32 $0xFFFFFFF3, v21;
	v8 =	vadd.f32 v8, v12  }
0xd3: {  	v23 =	vld [tilespmem:s24+$0x130];
	v62, _, _ =	vpop (xrf2);
	[tilespmem:v10+s10+$0x0] =	vst.idx.msk vm0, v60;
	v10 =	vmul.f32 v20, v56;
	v20 =	vbroadcast v21, $0x0;
	v21 =	vmov s29  }
0xd4: {  	v59 =	vld [tilespmem:s24+$0x170];
	v0 =	vmul.f32 v0, v11;
	[tilespmem:v6+s10+$0x0] =	vst.idx.msk vm0, v62;
	(xrf2) =	vadd.scan.msk.f32 $0xffff, v8;
	v6, _, _ =	vpop (xrf2);
	v11 =	vand.u32 $0xFFFFFFF4, v21  }
0xd5: {  	v4 =	vmul.f32 v15, v4;
	v15 =	vld [tilespmem:s15+$0x270];
	[tilespmem:v17+s10+$0x0] =	vst.idx.msk vm0, v6;
	v17 =	vbroadcast v11, $0x0;
	v11 =	vadd.f32 v10, v16  }
0xd6: {  	s30 =	simm.s32 $0x5;
	v1 =	vadd.f32 v1, v24;
	v13 =	vadd.f32 v13, v28;
	v12 =	vmul.f32 v19, v22;
	v19 =	vld [tilespmem:s24+$0x270]  }
0xd7: {  	v0 =	vadd.f32 v0, v14;
	v6 =	vadd.f32 v4, v3;
	v3 =	vmov s30;
	v16, _, _ =	vpop (xrf2);
	v10 =	vld [tilespmem:s15+$0x330];
	(xrf2) =	vadd.scan.msk.f32 $0xffff, v11  }
0xd8: {  	s16 =	simm.s32 $0x2C00;
	v14 =	vmul.f32 v23, v18;
	v3 =	vand.u32 $0xFFFFFFF5, v3;
	[tilespmem:v7+s10+$0x0] =	vst.idx.msk vm0, v16;
	v7, _, _ =	vpop (xrf2);
	v4 =	vadd.f32 v12, v1;
	v12 =	vld [tilespmem:s24+$0x330]  }
0xd9: {  	s31 =	simm.s32 $0x6;
	v5 =	vadd.f32 v5, v32;
	v18 =	vld [tilespmem:s16+$0x340];
	v8 =	vmul.f32 v59, v58;
	[tilespmem:v20+s10+$0x0] =	vst.idx.msk vm0, v7;
	v7 =	vbroadcast v3, $0x0  }
0xda: {  	s15 =	simm.s32 $0xC00;
	v22 =	vld [tilespmem:s16+$0x350];
	v1 =	vadd.f32 v14, v9;
	v9 =	vmul.f32 v63, v61;
	v14 =	vmov s31;
	(xrf2) =	vadd.scan.msk.f32 $0xffff, v0  }
0xdb: {  	v21 =	vld [tilespmem:s15+$0x350];
	v3 =	vadd.f32 v8, v13;
	v8 =	vand.u32 $0xFFFFFFF6, v14;
	v13, _, _ =	vpop (xrf2);
	v23 =	vmul.f32 v19, v15  }
0xdc: {  	s14 =	simm.s32 $0x10;
	s18 =	simm.s32 $0x20;
	s19 =	simm.s32 $0x7;
	v11 =	vld [tilespmem:s15+$0x340];
	v0 =	vadd.f32 v9, v57;
	v8 =	vbroadcast v8, $0x0;
	[tilespmem:v17+s10+$0x0] =	vst.idx.msk vm0, v13  }
.LBB2_10:
0xdd: {  	p0 =	slt.u32 s18, $0x30;
	v9 =	vld [tilespmem:s15+$0x360];
	v14 =	vmov s19;
	v5 =	vadd.f32 v23, v5;
	v10 =	vmul.f32 v12, v10;
	(xrf2) =	vadd.scan.msk.f32 $0xffff, v6  }
0xde: {  	v6 =	vld [tilespmem:s16+$0x360];
	v12 =	vand.u32 $0xFFFFFFF7, v14;
	v13, _, _ =	vpop (xrf2)  }
0xdf: {  	s19 =	sadd.s32 $0x8, s17;
	v14 =	vld [tilespmem:s15+$0x370];
	[tilespmem:v7+s10+$0x0] =	vst.idx.msk vm0, v13;
	v7 =	vbroadcast v12, $0x0;
	v10 =	vadd.f32 v10, v2  }
0xe0: {  	v13 =	vmov s19;
	v12 =	vld [tilespmem:s16+$0x370];
	(xrf2) =	vadd.scan.msk.f32 $0xffff, v4  }
0xe1: {  	v4 =	vmul.f32 v18, v11;
	v13 =	vand.u32 $0xFFFFFFF8, v13;
	v2 =	vld [tilespmem:s16+$0xFFFFFC00];
	v11 =	vmul.f32 v22, v21;
	v15, _, _ =	vpop (xrf2)  }
0xe2: {  	s19 =	sadd.s32 $0x9, s17;
	v16 =	vld [tilespmem:s15+$0xFFFFFC10];
	[tilespmem:v8+s10+$0x0] =	vst.idx.msk vm0, v15;
	v8 =	vbroadcast v13, $0x0  }
0xe3: {  	v15 =	vmov s19;
	v13 =	vld [tilespmem:s16+$0xFFFFFC10];
	v4 =	vadd.f32 v11, v4;
	v6 =	vmul.f32 v6, v9;
	(xrf2) =	vadd.scan.msk.f32 $0xffff, v1  }
0xe4: {  	v1 =	vand.u32 $0xFFFFFFF9, v15;
	v11 =	vld [tilespmem:s15+$0xFFFFFC40];
	v9, _, _ =	vpop (xrf2)  }
0xe5: {  	s19 =	sadd.s32 $0xA, s17;
	v15 =	vld [tilespmem:s16+$0xFFFFFC40];
	v4 =	vadd.f32 v6, v4;
	v6 =	vmul.f32 v12, v14;
	[tilespmem:v7+s10+$0x0] =	vst.idx.msk vm0, v9;
	v7 =	vbroadcast v1, $0x0  }
0xe6: {  	v1 =	vmov s19;
	v9 =	vld [tilespmem:s15+$0xFFFFFC50];
	(xrf2) =	vadd.scan.msk.f32 $0xffff, v3  }
0xe7: {  	v3 =	vld [tilespmem:s16+$0xFFFFFC50];
	v4 =	vadd.f32 v6, v4;
	v6 =	vand.u32 $0xFFFFFFFA, v1;
	v12, _, _ =	vpop (xrf2)  }
0xe8: {  	s19 =	sadd.s32 $0xB, s17;
	v1 =	vmul.f32 v13, v16;
	v13 =	vld [tilespmem:s15+$0xFFFFFD00];
	[tilespmem:v8+s10+$0x0] =	vst.idx.msk vm0, v12;
	v6 =	vbroadcast v6, $0x0  }
0xe9: {  	v8 =	vld [tilespmem:s16+$0xFFFFFD00];
	(xrf2) =	vadd.scan.msk.f32 $0xffff, v4;
	v4 =	vmov s19  }
0xea: {  	v11 =	vmul.f32 v15, v11;
	v12 =	vld [tilespmem:s15+$0xFFFFFD10];
	v4 =	vand.u32 $0xFFFFFFFB, v4;
	v14, _, _ =	vpop (xrf2)  }
0xeb: {  	v15 =	vld [tilespmem:s16+$0xFFFFFD10];
	[tilespmem:v7+s10+$0x0] =	vst.idx.msk vm0, v14;
	v4 =	vbroadcast v4, $0x0  }
0xec: {  	v3 =	vmul.f32 v3, v9;
	v7 =	vld [tilespmem:s15+$0xFFFFFD40];
	(xrf2) =	vadd.scan.msk.f32 $0xffff, v0  }
0xed: {  	v9 =	vld [tilespmem:s16+$0xFFFFFD40];
	v14, _, _ =	vpop (xrf2)  }
0xee: {  	s20 =	sadd.s32 $0xC, s17;
	s19 =	sadd.s32 $0xF, s14;
	v0 =	vadd.f32 v3, v11;
	v3 =	vmul.f32 v8, v13;
	v8 =	vld [tilespmem:s15+$0xFFFFFD50];
	[tilespmem:v6+s10+$0x0] =	vst.idx.msk vm0, v14  }
0xef: {  	v11 =	vmov s19;
	v13 =	vmov s20;
	v6 =	vld [tilespmem:s16+$0xFFFFFD50];
	(xrf2) =	vadd.scan.msk.f32 $0xffff, v5  }
0xf0: {  	v13 =	vand.u32 $0xFFFFFFFC, v13;
	v5 =	vmul.f32 v15, v12;
	v12 =	vld [tilespmem:s15+$0xFFFFFE00];
	v14, _, _ =	vpop (xrf2)  }
0xf1: {  	s19 =	sadd.s32 $0xD, s17;
	v13 =	vbroadcast v13, $0x0;
	v15 =	vld [tilespmem:s16+$0xFFFFFE00];
	[tilespmem:v4+s10+$0x0] =	vst.idx.msk vm0, v14  }
0xf2: {  	v3 =	vadd.f32 v5, v3;
	v4 =	vmul.f32 v9, v7;
	v5 =	vld [tilespmem:s15+$0xFFFFFE10];
	v7 =	vmov s19;
	(xrf2) =	vadd.scan.msk.f32 $0xffff, v10  }
0xf3: {  	v9 =	vld [tilespmem:s16+$0xFFFFFE10];
	v10, _, _ =	vpop (xrf2);
	v7 =	vand.u32 $0xFFFFFFFD, v7  }
0xf4: {  	s19 =	sadd.s32 $0xE, s17;
	s17 =	smov.u32 s14;
	s14 =	smov.u32 s18;
	v6 =	vmul.f32 v6, v8;
	v8 =	vld [tilespmem:s15+$0xFFFFFE40];
	[tilespmem:v11+s10+$0x0] =	vst.idx.msk vm0, v10;
	v7 =	vbroadcast v7, $0x0  }
0xf5: {  	v11 =	vmov s19;
	v10 =	vld [tilespmem:s16+$0xFFFFFE40]  }
0xf6: {  	v11 =	vand.u32 $0xFFFFFFFE, v11;
	v4 =	vadd.f32 v6, v4;
	v6 =	vmul.f32 v15, v12;
	v12 =	vld [tilespmem:s15+$0xFFFFFE50];
	v14, _, _ =	vpop (xrf2)  }
0xf7: {  	v11 =	vbroadcast v11, $0x0;
	v15 =	vld [tilespmem:s16+$0xFFFFFE50];
	[tilespmem:v13+s10+$0x0] =	vst.idx.msk vm0, v14  }
0xf8: {  	v5 =	vmul.f32 v9, v5;
	v9 =	vld [tilespmem:s15+$0xFFFFFF00]  }
0xf9: {  	v13 =	vld [tilespmem:s16+$0xFFFFFF00];
	v14, _, _ =	vpop (xrf2)  }
0xfa: {  	v5 =	vadd.f32 v5, v6;
	v6 =	vmul.f32 v10, v8;
	v8 =	vld [tilespmem:s15+$0xFFFFFF10];
	[tilespmem:v7+s10+$0x0] =	vst.idx.msk vm0, v14  }
0xfb: {  	v7 =	vld [tilespmem:s16+$0xFFFFFF10]  }
0xfc: {  	v10 =	vmul.f32 v15, v12;
	v12 =	vld [tilespmem:s15+$0xFFFFFF40];
	v14, _, _ =	vpop (xrf2)  }
0xfd: {  	v15 =	vld [tilespmem:s16+$0xFFFFFF40];
	[tilespmem:v11+s10+$0x0] =	vst.idx.msk vm0, v14  }
0xfe: {  	v6 =	vadd.f32 v10, v6;
	v9 =	vmul.f32 v13, v9;
	v10 =	vld [tilespmem:s15+$0xFFFFFF50]  }
0xff: {  	v11 =	vld [tilespmem:s16+$0xFFFFFF50]  }
0x100: {  	v7 =	vmul.f32 v7, v8;
	v13 =	vld [tilespmem:s15+$0x0]  }
0x101: {  	v14 =	vld [tilespmem:s16+$0x0]  }
0x102: {  	v7 =	vadd.f32 v7, v9;
	v8 =	vmul.f32 v15, v12;
	v9 =	vld [tilespmem:s15+$0x10]  }
0x103: {  	v12 =	vld [tilespmem:s16+$0x10]  }
0x104: {  	v10 =	vmul.f32 v11, v10;
	v11 =	vld [tilespmem:s15+$0x40]  }
0x105: {  	v15 =	vld [tilespmem:s16+$0x40]  }
0x106: {  	v8 =	vadd.f32 v10, v8;
	v10 =	vmul.f32 v14, v13;
	v13 =	vld [tilespmem:s15+$0x50]  }
0x107: {  	v14 =	vld [tilespmem:s16+$0x50]  }
0x108: {  	v9 =	vmul.f32 v12, v9;
	v12 =	vld [tilespmem:s15+$0x100]  }
0x109: {  	v16 =	vld [tilespmem:s16+$0x100]  }
0x10a: {  	v9 =	vadd.f32 v9, v10;
	v10 =	vmul.f32 v15, v11;
	v11 =	vld [tilespmem:s15+$0x110]  }
0x10b: {  	v15 =	vld [tilespmem:s16+$0x110]  }
0x10c: {  	v13 =	vmul.f32 v14, v13;
	v14 =	vld [tilespmem:s15+$0x140]  }
0x10d: {  	v17 =	vld [tilespmem:s16+$0x140]  }
0x10e: {  	v10 =	vadd.f32 v13, v10;
	v12 =	vmul.f32 v16, v12;
	v13 =	vld [tilespmem:s15+$0x150]  }
0x10f: {  	v16 =	vld [tilespmem:s16+$0x150]  }
0x110: {  	v11 =	vmul.f32 v15, v11;
	v15 =	vld [tilespmem:s15+$0x200]  }
0x111: {  	v18 =	vld [tilespmem:s16+$0x200]  }
0x112: {  	v11 =	vadd.f32 v11, v12;
	v12 =	vmul.f32 v17, v14;
	v14 =	vld [tilespmem:s15+$0x210]  }
0x113: {  	v17 =	vld [tilespmem:s16+$0x210]  }
0x114: {  	v13 =	vmul.f32 v16, v13;
	v16 =	vld [tilespmem:s15+$0x240]  }
0x115: {  	v19 =	vld [tilespmem:s16+$0x240]  }
0x116: {  	v12 =	vadd.f32 v13, v12;
	v13 =	vmul.f32 v18, v15;
	v15 =	vld [tilespmem:s15+$0x250]  }
0x117: {  	v18 =	vld [tilespmem:s16+$0x250]  }
0x118: {  	v14 =	vmul.f32 v17, v14;
	v17 =	vld [tilespmem:s15+$0x300]  }
0x119: {  	v20 =	vld [tilespmem:s16+$0x300]  }
0x11a: {  	v13 =	vadd.f32 v14, v13;
	v14 =	vmul.f32 v19, v16;
	v16 =	vld [tilespmem:s15+$0x310]  }
0x11b: {  	v19 =	vld [tilespmem:s16+$0x310]  }
0x11c: {  	v21 =	vld [tilespmem:s15+$0xFFFFFC00];
	v15 =	vmul.f32 v18, v15  }
0x11d: {  	v18 =	vld [tilespmem:s15+$0xFFFFFC20]  }
0x11e: {  	v22 =	vld [tilespmem:s16+$0xFFFFFC20];
	v14 =	vadd.f32 v15, v14;
	v15 =	vmul.f32 v20, v17  }
0x11f: {  	v17 =	vld [tilespmem:s15+$0xFFFFFC60]  }
0x120: {  	v20 =	vld [tilespmem:s16+$0xFFFFFC60];
	v16 =	vmul.f32 v19, v16  }
0x121: {  	v2 =	vmul.f32 v2, v21;
	v19 =	vld [tilespmem:s15+$0xFFFFFD20]  }
0x122: {  	v21 =	vld [tilespmem:s16+$0xFFFFFD20];
	v15 =	vadd.f32 v16, v15  }
0x123: {  	v1 =	vadd.f32 v1, v2;
	v2 =	vmul.f32 v22, v18;
	v16 =	vld [tilespmem:s15+$0xFFFFFD60]  }
0x124: {  	v18 =	vld [tilespmem:s16+$0xFFFFFD60]  }
0x125: {  	v1 =	vadd.f32 v2, v1;
	v2 =	vmul.f32 v20, v17;
	v17 =	vld [tilespmem:s15+$0xFFFFFE20]  }
0x126: {  	v20 =	vld [tilespmem:s16+$0xFFFFFE20]  }
0x127: {  	v22 =	vadd.f32 v2, v0;
	v0 =	vmul.f32 v21, v19;
	v2 =	vld [tilespmem:s15+$0xFFFFFE60]  }
0x128: {  	v19 =	vld [tilespmem:s16+$0xFFFFFE60]  }
0x129: {  	v21 =	vadd.f32 v0, v3;
	v0 =	vmul.f32 v18, v16;
	v3 =	vld [tilespmem:s15+$0xFFFFFF20]  }
0x12a: {  	v16 =	vld [tilespmem:s16+$0xFFFFFF20]  }
0x12b: {  	v4 =	vadd.f32 v0, v4;
	v0 =	vmul.f32 v20, v17;
	v17 =	vld [tilespmem:s15+$0xFFFFFF60]  }
0x12c: {  	v18 =	vld [tilespmem:s16+$0xFFFFFF60]  }
0x12d: {  	v20 =	vadd.f32 v0, v5;
	v0 =	vmul.f32 v19, v2;
	v2 =	vld [tilespmem:s15+$0x20]  }
0x12e: {  	v5 =	vld [tilespmem:s16+$0x20]  }
0x12f: {  	v6 =	vadd.f32 v0, v6;
	v0 =	vmul.f32 v16, v3;
	v3 =	vld [tilespmem:s15+$0x60]  }
0x130: {  	v16 =	vld [tilespmem:s16+$0x60]  }
0x131: {  	v7 =	vadd.f32 v0, v7;
	v0 =	vmul.f32 v18, v17;
	v17 =	vld [tilespmem:s15+$0x120]  }
0x132: {  	v18 =	vld [tilespmem:s16+$0x120]  }
0x133: {  	v8 =	vadd.f32 v0, v8;
	v0 =	vmul.f32 v5, v2;
	v2 =	vld [tilespmem:s15+$0x160]  }
0x134: {  	v5 =	vld [tilespmem:s16+$0x160]  }
0x135: {  	v9 =	vadd.f32 v0, v9;
	v0 =	vmul.f32 v16, v3;
	v16 =	vld [tilespmem:s15+$0x220]  }
0x136: {  	v19 =	vld [tilespmem:s16+$0x220]  }
0x137: {  	v10 =	vadd.f32 v0, v10;
	v0 =	vmul.f32 v18, v17;
	v17 =	vld [tilespmem:s15+$0x260]  }
0x138: {  	v18 =	vld [tilespmem:s16+$0x260]  }
0x139: {  	v11 =	vadd.f32 v0, v11;
	v0 =	vmul.f32 v5, v2;
	v2 =	vld [tilespmem:s15+$0x320]  }
0x13a: {  	v23 =	vld [tilespmem:s16+$0x320]  }
0x13b: {  	v24 =	vld [tilespmem:s15+$0xFFFFFC30];
	v3 =	vadd.f32 v0, v12;
	v0 =	vmul.f32 v19, v16  }
0x13c: {  	v12 =	vld [tilespmem:s16+$0xFFFFFC30]  }
0x13d: {  	v16 =	vld [tilespmem:s15+$0xFFFFFC70];
	v0 =	vadd.f32 v0, v13;
	v5 =	vmul.f32 v18, v17  }
0x13e: {  	v13 =	vld [tilespmem:s16+$0xFFFFFC70]  }
0x13f: {  	v17 =	vld [tilespmem:s15+$0xFFFFFD30];
	v5 =	vadd.f32 v5, v14;
	v2 =	vmul.f32 v23, v2  }
0x140: {  	v14 =	vld [tilespmem:s16+$0xFFFFFD30]  }
0x141: {  	v12 =	vmul.f32 v12, v24;
	v18 =	vld [tilespmem:s15+$0xFFFFFD70];
	v2 =	vadd.f32 v2, v15  }
0x142: {  	v15 =	vld [tilespmem:s16+$0xFFFFFD70]  }
0x143: {  	v1 =	vadd.f32 v12, v1;
	v12 =	vmul.f32 v13, v16;
	v13 =	vld [tilespmem:s15+$0xFFFFFE30]  }
0x144: {  	v16 =	vld [tilespmem:s16+$0xFFFFFE30]  }
0x145: {  	v12 =	vadd.f32 v12, v22;
	v14 =	vmul.f32 v14, v17;
	v17 =	vld [tilespmem:s15+$0xFFFFFE70];
	(xrf2) =	vadd.scan.msk.f32 $0xffff, v1  }
0x146: {  	v1 =	vld [tilespmem:s16+$0xFFFFFE70]  }
0x147: {  	v14 =	vadd.f32 v14, v21;
	v15 =	vmul.f32 v15, v18;
	v18 =	vld [tilespmem:s15+$0xFFFFFF30]  }
0x148: {  	v19 =	vmov s17;
	v21 =	vld [tilespmem:s16+$0xFFFFFF30];
	(xrf2) =	vadd.scan.msk.f32 $0xffff, v12  }
0x149: {  	v12 =	vand.u32 $0xFFFFFFF0, v19;
	v4 =	vadd.f32 v15, v4;
	v13 =	vmul.f32 v16, v13;
	v15 =	vld [tilespmem:s15+$0xFFFFFF70]  }
0x14a: {  	s19 =	sadd.s32 $0x1, s17;
	v12 =	vbroadcast v12, $0x0;
	v16 =	vld [tilespmem:s16+$0xFFFFFF70]  }
0x14b: {  	v19 =	vmov s19;
	v13 =	vadd.f32 v13, v20;
	v1 =	vmul.f32 v1, v17;
	v17 =	vld [tilespmem:s15+$0x30];
	(xrf2) =	vadd.scan.msk.f32 $0xffff, v14  }
0x14c: {  	v14 =	vand.u32 $0xFFFFFFF1, v19;
	v19 =	vld [tilespmem:s16+$0x30]  }
0x14d: {  	s19 =	sadd.s32 $0x2, s17;
	v14 =	vbroadcast v14, $0x0;
	v1 =	vadd.f32 v1, v6;
	v6 =	vmul.f32 v21, v18;
	v18 =	vld [tilespmem:s15+$0x70]  }
0x14e: {  	v20 =	vmov s19;
	v21 =	vld [tilespmem:s16+$0x70];
	(xrf2) =	vadd.scan.msk.f32 $0xffff, v4  }
0x14f: {  	v4 =	vand.u32 $0xFFFFFFF2, v20;
	v7 =	vadd.f32 v6, v7;
	v6 =	vmul.f32 v16, v15;
	v15 =	vld [tilespmem:s15+$0x130];
	v16, _, _ =	vpop (xrf2)  }
0x150: {  	s19 =	sadd.s32 $0x3, s17;
	[tilespmem:v12+s10+$0x0] =	vst.idx.msk vm0, v16;
	v12 =	vbroadcast v4, $0x0;
	v16 =	vld [tilespmem:s16+$0x130]  }
0x151: {  	v4 =	vmov s19;
	v8 =	vadd.f32 v6, v8;
	v6 =	vmul.f32 v19, v17;
	v17 =	vld [tilespmem:s15+$0x170];
	(xrf2) =	vadd.scan.msk.f32 $0xffff, v13  }
0x152: {  	v4 =	vand.u32 $0xFFFFFFF3, v4;
	v13 =	vld [tilespmem:s16+$0x170];
	v19, _, _ =	vpop (xrf2)  }
0x153: {  	s19 =	sadd.s32 $0x4, s17;
	[tilespmem:v14+s10+$0x0] =	vst.idx.msk vm0, v19;
	v14 =	vbroadcast v4, $0x0;
	v6 =	vadd.f32 v6, v9;
	v4 =	vmul.f32 v21, v18;
	v9 =	vld [tilespmem:s15+$0x230]  }
0x154: {  	v18 =	vmov s19;
	v19 =	vld [tilespmem:s16+$0x230];
	(xrf2) =	vadd.scan.msk.f32 $0xffff, v1  }
0x155: {  	v1 =	vand.u32 $0xFFFFFFF4, v18;
	v4 =	vadd.f32 v4, v10;
	v10 =	vmul.f32 v16, v15;
	v15 =	vld [tilespmem:s15+$0x270];
	v16, _, _ =	vpop (xrf2)  }
0x156: {  	s19 =	sadd.s32 $0x5, s17;
	[tilespmem:v12+s10+$0x0] =	vst.idx.msk vm0, v16;
	v16 =	vbroadcast v1, $0x0;
	v20 =	vld [tilespmem:s16+$0x270]  }
0x157: {  	v12 =	vmov s19;
	v1 =	vadd.f32 v10, v11;
	v13 =	vmul.f32 v13, v17;
	v10 =	vld [tilespmem:s15+$0x330];
	(xrf2) =	vadd.scan.msk.f32 $0xffff, v7  }
.Ltmp4:
0x158: {  	v7 =	vand.u32 $0xFFFFFFF5, v12;
	s15 =	sadd.s32 $0x800, s15;
	v12 =	vld [tilespmem:s16+$0x330];
	v17, _, _ =	vpop (xrf2);
	(pc) =	sbr.rel @p0 .LBB2_10-.Ltmp4, $4  }
0x159: {  	s19 =	sadd.s32 $0x6, s17;
	v7 =	vbroadcast v7, $0x0;
	s16 =	sadd.s32 $0x800, s16;
	v11 =	vld [tilespmem:s15+$0x340];
	[tilespmem:v14+s10+$0x0] =	vst.idx.msk vm0, v17;
	v3 =	vadd.f32 v13, v3;
	v14 =	vmul.f32 v19, v9  }
0x15a: {  	v13 =	vmov s19;
	v18 =	vld [tilespmem:s16+$0x340];
	(xrf2) =	vadd.scan.msk.f32 $0xffff, v8  }
0x15b: {  	v8 =	vand.u32 $0xFFFFFFF6, v13;
	v21 =	vld [tilespmem:s15+$0x350];
	v0 =	vadd.f32 v14, v0;
	v23 =	vmul.f32 v20, v15;
	v9, _, _ =	vpop (xrf2)  }
0x15c: {  	s18 =	sadd.s32 $0x10, s18;
	s19 =	sadd.s32 $0x7, s17;
	v8 =	vbroadcast v8, $0x0;
	v22 =	vld [tilespmem:s16+$0x350];
	[tilespmem:v16+s10+$0x0] =	vst.idx.msk vm0, v9  }
0x15d: {  	v9 =	vld [tilespmem:s16+$0xFFFFFC00];
	_ =	sdelay $0x1  }
0x15e: {  	v24 =	vld [tilespmem:s15+$0x360]  }
0x15f: {  	v25 =	vld [tilespmem:s16+$0x360]  }
0x160: {  	v26 =	vld [tilespmem:s15+$0x370]  }
0x161: {  	v27 =	vld [tilespmem:s16+$0x370];
	[tilespmem:$0x1FC70] =	vst v9  }
0x162: {  	v9 =	vld [tilespmem:s15+$0xFFFFFC10];
	_ =	sdelay $0x4  }
0x163: {  	[tilespmem:$0x1FBA0] =	vst v9  }
0x164: {  	v9 =	vld [tilespmem:s16+$0xFFFFFC10];
	_ =	sdelay $0x4  }
0x165: {  	[tilespmem:$0x1FBB0] =	vst v9  }
0x166: {  	v30 =	vld [tilespmem:s15+$0xFFFFFC40]  }
0x167: {  	v31 =	vld [tilespmem:s16+$0xFFFFFC40]  }
0x168: {  	v32 =	vld [tilespmem:s15+$0xFFFFFC50]  }
0x169: {  	v33 =	vld [tilespmem:s16+$0xFFFFFC50]  }
0x16a: {  	v34 =	vld [tilespmem:s15+$0xFFFFFD00]  }
0x16b: {  	v35 =	vld [tilespmem:s16+$0xFFFFFD00]  }
0x16c: {  	v36 =	vld [tilespmem:s15+$0xFFFFFD10]  }
0x16d: {  	v37 =	vld [tilespmem:s16+$0xFFFFFD10]  }
0x16e: {  	v38 =	vld [tilespmem:s15+$0xFFFFFD40]  }
0x16f: {  	v39 =	vld [tilespmem:s16+$0xFFFFFD40]  }
0x170: {  	v40 =	vld [tilespmem:s15+$0xFFFFFD50]  }
0x171: {  	v41 =	vld [tilespmem:s16+$0xFFFFFD50]  }
0x172: {  	v42 =	vld [tilespmem:s15+$0xFFFFFE00]  }
0x173: {  	v43 =	vld [tilespmem:s16+$0xFFFFFE00]  }
0x174: {  	v44 =	vld [tilespmem:s15+$0xFFFFFE10]  }
0x175: {  	v45 =	vld [tilespmem:s16+$0xFFFFFE10]  }
0x176: {  	v46 =	vld [tilespmem:s15+$0xFFFFFE40]  }
0x177: {  	v47 =	vld [tilespmem:s16+$0xFFFFFE40]  }
0x178: {  	v48 =	vld [tilespmem:s15+$0xFFFFFE50]  }
0x179: {  	v49 =	vld [tilespmem:s16+$0xFFFFFE50]  }
0x17a: {  	v50 =	vld [tilespmem:s15+$0xFFFFFF00]  }
0x17b: {  	v51 =	vld [tilespmem:s16+$0xFFFFFF00]  }
0x17c: {  	v52 =	vld [tilespmem:s15+$0xFFFFFF10]  }
0x17d: {  	v53 =	vld [tilespmem:s16+$0xFFFFFF10]  }
0x17e: {  	v54 =	vld [tilespmem:s15+$0xFFFFFF40]  }
0x17f: {  	v55 =	vld [tilespmem:s16+$0xFFFFFF40]  }
0x180: {  	v56 =	vld [tilespmem:s15+$0xFFFFFF50]  }
0x181: {  	v57 =	vld [tilespmem:s16+$0xFFFFFF50]  }
0x182: {  	v58 =	vld [tilespmem:s15+$0x0]  }
0x183: {  	v59 =	vld [tilespmem:s16+$0x0]  }
0x184: {  	v60 =	vld [tilespmem:s15+$0x10]  }
0x185: {  	v61 =	vld [tilespmem:s16+$0x10]  }
0x186: {  	v62 =	vld [tilespmem:s15+$0x40]  }
0x187: {  	v63 =	vld [tilespmem:s16+$0x40]  }
0x188: {  	v13 =	vld [tilespmem:s15+$0x50]  }
0x189: {  	v9 =	vld [tilespmem:s16+$0x50]  }
0x18a: {  	v17 =	vld [tilespmem:s15+$0x100]  }
0x18b: {  	v20 =	vld [tilespmem:s15+$0x150]  }
0x18c: {  	v16 =	vld [tilespmem:s16+$0x100]  }
0x18d: {  	v15 =	vld [tilespmem:s15+$0x110]  }
0x18e: {  	v14 =	vld [tilespmem:s16+$0x110]  }
0x18f: {  	v29 =	vld [tilespmem:s15+$0x140]  }
0x190: {  	v19 =	vld [tilespmem:s16+$0x140];
	[tilespmem:$0x1FBC0] =	vst v20  }
0x191: {  	v28 =	vld [tilespmem:s15+$0x200];
	_ =	sdelay $0x4  }
0x192: {  	v20 =	vld [tilespmem:s16+$0x150];
	[tilespmem:$0x1FBD0] =	vst v28  }
0x193: {  	v28 =	vld [tilespmem:s16+$0x200];
	_ =	sdelay $0x4  }
0x194: {  	[tilespmem:$0x1FBE0] =	vst v28  }
0x195: {  	v28 =	vld [tilespmem:s15+$0x210];
	_ =	sdelay $0x4  }
0x196: {  	[tilespmem:$0x1FBF0] =	vst v28  }
0x197: {  	v28 =	vld [tilespmem:s16+$0x210];
	_ =	sdelay $0x4  }
0x198: {  	[tilespmem:$0x1FC00] =	vst v28  }
0x199: {  	v28 =	vld [tilespmem:s15+$0x240];
	_ =	sdelay $0x4  }
0x19a: {  	[tilespmem:$0x1FC10] =	vst v28  }
0x19b: {  	v28 =	vld [tilespmem:s16+$0x240];
	_ =	sdelay $0x4  }
0x19c: {  	[tilespmem:$0x1FC20] =	vst v28  }
0x19d: {  	v28 =	vld [tilespmem:s15+$0x250];
	_ =	sdelay $0x4  }
0x19e: {  	[tilespmem:$0x1FC30] =	vst v28  }
0x19f: {  	v28 =	vld [tilespmem:s16+$0x250];
	_ =	sdelay $0x4  }
0x1a0: {  	[tilespmem:$0x1FC40] =	vst v28  }
0x1a1: {  	v28 =	vld [tilespmem:s15+$0x300];
	_ =	sdelay $0x4  }
0x1a2: {  	[tilespmem:$0x1FC50] =	vst v28  }
0x1a3: {  	v28 =	vld [tilespmem:s16+$0x300];
	_ =	sdelay $0x4  }
0x1a4: {  	[tilespmem:$0x1FC60] =	vst v28  }
0x1a5: {  	v28 =	vld [tilespmem:s15+$0x310];
	_ =	sdelay $0x4  }
0x1a6: {  	[tilespmem:$0x1FC90] =	vst v28  }
0x1a7: {  	v28 =	vld [tilespmem:s16+$0x310];
	_ =	sdelay $0x4  }
0x1a8: {  	[tilespmem:$0x1FCA0] =	vst v28  }
0x1a9: {  	v28 =	vld [tilespmem:s15+$0xFFFFFC00];
	_ =	sdelay $0x4  }
0x1aa: {  	[tilespmem:$0x1FC80] =	vst v28  }
0x1ab: {  	v28 =	vld [tilespmem:s15+$0xFFFFFC20];
	_ =	sdelay $0x4  }
0x1ac: {  	[tilespmem:$0x1FCB0] =	vst v28  }
0x1ad: {  	v28 =	vld [tilespmem:s16+$0xFFFFFC20];
	_ =	sdelay $0x4  }
0x1ae: {  	[tilespmem:$0x1FCC0] =	vst v28  }
0x1af: {  	v28 =	vld [tilespmem:s15+$0xFFFFFC60];
	_ =	sdelay $0x4  }
0x1b0: {  	[tilespmem:$0x1FCD0] =	vst v28  }
0x1b1: {  	v28 =	vld [tilespmem:s16+$0xFFFFFC60];
	_ =	sdelay $0x4  }
0x1b2: {  	[tilespmem:$0x1FCE0] =	vst v28  }
0x1b3: {  	v28 =	vld [tilespmem:s15+$0xFFFFFD20];
	_ =	sdelay $0x4  }
0x1b4: {  	[tilespmem:$0x1FCF0] =	vst v28  }
0x1b5: {  	v18 =	vmul.f32 v18, v11;
	v21 =	vmul.f32 v22, v21;
	v28 =	vld [tilespmem:s16+$0xFFFFFD20];
	_ =	sdelay $0x1  }
0x1b6: {  	v24 =	vmul.f32 v25, v24;
	v21 =	vadd.f32 v21, v18;
	_ =	sdelay $0x1  }
0x1b7: {  	v25 =	vmul.f32 v27, v26;
	v21 =	vadd.f32 v24, v21  }
0x1b8: {  	v5 =	vadd.f32 v23, v5;
	v23 =	vmul.f32 v31, v30;
	[tilespmem:$0x1FD00] =	vst v28  }
0x1b9: {  	v21 =	vadd.f32 v25, v21;
	v26 =	vmul.f32 v33, v32;
	v25 =	vmul.f32 v43, v42;
	v28 =	vld [tilespmem:s15+$0xFFFFFD60]  }
0x1ba: {  	v45 =	vmul.f32 v45, v44;
	v47 =	vmul.f32 v47, v46;
	v46 =	vld [tilespmem:$0x1FBB0]  }
0x1bb: {  	v49 =	vmul.f32 v49, v48;
	v61 =	vmul.f32 v61, v60;
	v60 =	vld [tilespmem:$0x1FC70]  }
0x1bc: {  	v25 =	vadd.f32 v45, v25;
	v45 =	vld [tilespmem:$0x1FBA0]  }
0x1bd: {  	v23 =	vadd.f32 v26, v23;
	v26 =	vadd.f32 v49, v47;
	v47 =	vld [tilespmem:$0x1FBC0]  }
0x1be: {  	v48 =	vld [tilespmem:$0x1FBD0];
	[tilespmem:$0x1FD10] =	vst v28  }
0x1bf: {  	v24 =	vmul.f32 v35, v34;
	v27 =	vmul.f32 v37, v36;
	v28 =	vld [tilespmem:s16+$0xFFFFFD60]  }
0x1c0: {  	v51 =	vmul.f32 v51, v50;
	v53 =	vmul.f32 v53, v52;
	v49 =	vld [tilespmem:$0x1FBE0]  }
0x1c1: {  	v50 =	vld [tilespmem:$0x1FBF0]  }
0x1c2: {  	v24 =	vadd.f32 v27, v24;
	v27 =	vadd.f32 v53, v51;
	v51 =	vld [tilespmem:$0x1FC00]  }
0x1c3: {  	v53 =	vld [tilespmem:$0x1FC10]  }
0x1c4: {  	v55 =	vmul.f32 v55, v54;
	v57 =	vmul.f32 v57, v56;
	v54 =	vld [tilespmem:$0x1FC20];
	[tilespmem:$0x1FD20] =	vst v28  }
0x1c5: {  	v28 =	vld [tilespmem:s15+$0xFFFFFE20]  }
0x1c6: {  	v31 =	vadd.f32 v57, v55;
	v55 =	vld [tilespmem:$0x1FC30]  }
0x1c7: {  	v56 =	vld [tilespmem:$0x1FC40]  }
0x1c8: {  	v59 =	vmul.f32 v59, v58;
	v57 =	vld [tilespmem:$0x1FC50]  }
0x1c9: {  	v58 =	vld [tilespmem:$0x1FC60]  }
0x1ca: {  	v33 =	vadd.f32 v61, v59;
	v61 =	vld [tilespmem:$0x1FC80];
	[tilespmem:$0x1FD30] =	vst v28  }
0x1cb: {  	v11 =	vld [tilespmem:s16+$0xFFFFFE20]  }
0x1cc: {  	v22 =	vmul.f32 v12, v10;
	v10 =	vld [tilespmem:s15+$0xFFFFFE60]  }
0x1cd: {  	v12 =	vld [tilespmem:s16+$0xFFFFFE60]  }
0x1ce: {  	v18 =	vld [tilespmem:s15+$0xFFFFFF20]  }
0x1cf: {  	v30 =	vld [tilespmem:s16+$0xFFFFFF20]  }
0x1d0: {  	v32 =	vld [tilespmem:s15+$0xFFFFFF60]  }
0x1d1: {  	v34 =	vld [tilespmem:s16+$0xFFFFFF60]  }
0x1d2: {  	v36 =	vld [tilespmem:s15+$0x20]  }
0x1d3: {  	v2 =	vadd.f32 v22, v2;
	v22 =	vmul.f32 v39, v38;
	v38 =	vld [tilespmem:s16+$0x20]  }
0x1d4: {  	v41 =	vmul.f32 v41, v40;
	v40 =	vld [tilespmem:s15+$0x60]  }
0x1d5: {  	v42 =	vld [tilespmem:s16+$0x60]  }
0x1d6: {  	v44 =	vmul.f32 v63, v62;
	v9 =	vmul.f32 v9, v13;
	v13 =	vld [tilespmem:s15+$0x120]  }
0x1d7: {  	s18 =	sadd.s32 $0x8, s17;
	(xrf2) =	vadd.scan.msk.f32 $0xffff, v6;
	s30 =	sadd.s32 $0x9, s17;
	v16 =	vmul.f32 v16, v17;
	v14 =	vmul.f32 v14, v15;
	v15 =	vmov s19;
	v37 =	vld [tilespmem:s16+$0x120]  }
0x1d8: {  	v6 =	vmul.f32 v19, v29;
	v19 =	vmov s18;
	v52 =	vmov s30;
	v35 =	vld [tilespmem:s15+$0x160]  }
0x1d9: {  	v15 =	vand.u32 $0xFFFFFFF7, v15;
	v19 =	vand.u32 $0xFFFFFFF8, v19;
	v22 =	vadd.f32 v41, v22;
	v17 =	vld [tilespmem:s16+$0x160]  }
0x1da: {  	v9 =	vadd.f32 v9, v44;
	v15 =	vbroadcast v15, $0x0;
	v44 =	vand.u32 $0xFFFFFFF9, v52;
	v28 =	vld [tilespmem:s15+$0x220]  }
0x1db: {  	v19 =	vbroadcast v19, $0x0;
	v14 =	vadd.f32 v14, v16;
	v16 =	vbroadcast v44, $0x0;
	v41 =	vld [tilespmem:s16+$0x220]  }
0x1dc: {  	v39 =	vmul.f32 v46, v45;
	v20 =	vmul.f32 v20, v47;
	v46 =	vld [tilespmem:s15+$0x260]  }
0x1dd: {  	v59, _, _ =	vpop (xrf2);
	v45 =	vmul.f32 v54, v53;
	v44 =	vmul.f32 v56, v55;
	v47 =	vld [tilespmem:s16+$0x260]  }
0x1de: {  	v29 =	vmul.f32 v49, v48;
	v48 =	vld [tilespmem:s15+$0x320];
	[tilespmem:v7+s10+$0x0] =	vst.idx.msk vm0, v59  }
0x1df: {  	v43 =	vmul.f32 v51, v50;
	v44 =	vadd.f32 v44, v45;
	v45 =	vmul.f32 v58, v57;
	v7, _, _ =	vpop (xrf2);
	v57 =	vld [tilespmem:$0x1FC90]  }
0x1e0: {  	v58 =	vld [tilespmem:$0x1FCA0];
	[tilespmem:v8+s10+$0x0] =	vst.idx.msk vm0, v7;
	v7, _, _ =	vpop (xrf2)  }
0x1e1: {  	v29 =	vadd.f32 v43, v29;
	v43 =	vld [tilespmem:s16+$0x320];
	[tilespmem:v15+s10+$0x0] =	vst.idx.msk vm0, v7;
	v7, _, _ =	vpop (xrf2)  }
0x1e2: {  	s20 =	sadd.s32 $0xC, s17;
	s19 =	sadd.s32 $0xB, s17;
	v49 =	vld [tilespmem:s15+$0xFFFFFC30];
	[tilespmem:v19+s10+$0x0] =	vst.idx.msk vm0, v7  }
0x1e3: {  	v62 =	vmov s19;
	v59 =	vmov s20;
	v19 =	vld [tilespmem:$0x1FCB0]  }
0x1e4: {  	s22 =	sadd.s32 $0xD, s17;
	v63 =	vand.u32 $0xFFFFFFFB, v62;
	v51 =	vmul.f32 v60, v61;
	v60 =	vand.u32 $0xFFFFFFFC, v59;
	v62 =	vld [tilespmem:$0x1FCC0]  }
0x1e5: {  	v61 =	vmov s22;
	v50 =	vbroadcast v60, $0x0;
	v60 =	vld [tilespmem:$0x1FCD0]  }
0x1e6: {  	v7 =	vand.u32 $0xFFFFFFFD, v61;
	v61 =	vld [tilespmem:$0x1FCE0]  }
0x1e7: {  	v53 =	vld [tilespmem:s16+$0xFFFFFC30]  }
0x1e8: {  	v55 =	vld [tilespmem:s15+$0xFFFFFC70]  }
0x1e9: {  	s23 =	sadd.s32 $0xE, s17;
	v39 =	vadd.f32 v39, v51;
	v51 =	vld [tilespmem:s16+$0xFFFFFC70]  }
0x1ea: {  	(xrf2) =	vadd.scan.msk.f32 $0xffff, v4;
	v56 =	vld [tilespmem:s15+$0xFFFFFD30];
	v8 =	vbroadcast v63, $0x0;
	v63 =	vmov s23;
	v4 =	vbroadcast v7, $0x0  }
0x1eb: {  	v7 =	vand.u32 $0xFFFFFFFE, v63;
	v63 =	vld [tilespmem:$0x1FD00];
	v19 =	vmul.f32 v62, v19;
	v54 =	vmul.f32 v61, v60  }
0x1ec: {  	v59 =	vld [tilespmem:$0x1FD10]  }
0x1ed: {  	(xrf2) =	vadd.scan.msk.f32 $0xffff, v1;
	v1 =	vadd.f32 v19, v39;
	v19 =	vadd.f32 v54, v23;
	v54 =	vld [tilespmem:$0x1FD30]  }
0x1ee: {  	v10 =	vmul.f32 v12, v10;
	v12 =	vld [tilespmem:s16+$0xFFFFFE30]  }
0x1ef: {  	v52 =	vmul.f32 v58, v57;
	v57 =	vld [tilespmem:s16+$0xFFFFFD30]  }
0x1f0: {  	v60 =	vld [tilespmem:$0x1FD20]  }
0x1f1: {  	v6 =	vadd.f32 v20, v6;
	v17 =	vmul.f32 v17, v35;
	v58 =	vld [tilespmem:s15+$0xFFFFFD70]  }
0x1f2: {  	s31 =	sadd.s32 $0xA, s17;
	v62 =	vld [tilespmem:$0x1FCF0];
	v11 =	vmul.f32 v11, v54  }
0x1f3: {  	v20 =	vmov s31;
	v6 =	vadd.f32 v17, v6;
	v17 =	vld [tilespmem:s16+$0x30];
	v39 =	vmul.f32 v42, v40  }
0x1f4: {  	(xrf2) =	vadd.scan.msk.f32 $0xffff, v3;
	v61 =	vld [tilespmem:s15+$0xFFFFFE30];
	v3 =	vadd.f32 v11, v25;
	v11 =	vmul.f32 v30, v18;
	v18 =	vmul.f32 v34, v32  }
0x1f5: {  	(xrf2) =	vadd.scan.msk.f32 $0xffff, v21;
	v20 =	vand.u32 $0xFFFFFFFA, v20;
	v40 =	vld [tilespmem:s16+$0xFFFFFF30];
	v59 =	vmul.f32 v60, v59;
	v34 =	vmul.f32 v53, v49  }
0x1f6: {  	(xrf2) =	vadd.scan.msk.f32 $0xffff, v0;
	v60 =	vld [tilespmem:s16+$0xFFFFFD70];
	v0 =	vadd.f32 v11, v27;
	v11 =	vadd.f32 v18, v31;
	v18 =	vmul.f32 v51, v55  }
0x1f7: {  	(xrf2) =	vadd.scan.msk.f32 $0xffff, v5;
	v45 =	vadd.f32 v52, v45;
	v52 =	vmul.f32 v63, v62;
	v62 =	vld [tilespmem:s15+$0xFFFFFE70];
	v1 =	vadd.f32 v34, v1  }
0x1f8: {  	s21 =	sadd.s32 $0xF, s14;
	(xrf2) =	vadd.scan.msk.f32 $0xffff, v2;
	v2 =	vmul.f32 v37, v13;
	v63 =	vmul.f32 v38, v36;
	v36 =	vld [tilespmem:s16+$0xFFFFFE70];
	v13 =	vadd.f32 v18, v19  }
0x1f9: {  	v20 =	vbroadcast v20, $0x0;
	v15 =	vmov s21;
	v10 =	vadd.f32 v10, v26;
	v38 =	vld [tilespmem:s15+$0xFFFFFF30];
	(xrf2) =	vadd.scan.msk.f32 $0xffff, v1  }
0x1fa: {  	v12 =	vmul.f32 v12, v61;
	v61 =	vld [tilespmem:s15+$0x170];
	v24 =	vadd.f32 v52, v24;
	v18 =	vmul.f32 v57, v56;
	(xrf2) =	vadd.scan.msk.f32 $0xffff, v13  }
0x1fb: {  	v7 =	vbroadcast v7, $0x0;
	v2 =	vadd.f32 v2, v14;
	v22 =	vadd.f32 v59, v22;
	v59 =	vld [tilespmem:s16+$0x130]  }
0x1fc: {  	s24 =	sadd.s32 $0x1, s14;
	v49, _, _ =	vpop (xrf2);
	v53 =	vmov s14;
	v19 =	vld [tilespmem:s15+$0xFFFFFF70];
	v14 =	vadd.f32 v18, v24;
	v18 =	vmul.f32 v60, v58  }
0x1fd: {  	v42 =	vmul.f32 v41, v28;
	[tilespmem:v16+s10+$0x0] =	vst.idx.msk vm0, v49;
	v54 =	vand.u32 $0xFFFFFFF0, v53;
	v51, _, _ =	vpop (xrf2);
	v55 =	vmov s24;
	v1 =	vld [tilespmem:s16+$0xFFFFFF70]  }
0x1fe: {  	v21 =	vbroadcast v54, $0x0;
	v56 =	vld [tilespmem:s16+$0x70];
	v57, _, _ =	vpop (xrf2);
	v18 =	vadd.f32 v18, v22;
	(xrf2) =	vadd.scan.msk.f32 $0xffff, v14;
	v22 =	vand.u32 $0xFFFFFFF1, v55  }
0x1ff: {  	v9 =	vadd.f32 v39, v9;
	v5 =	vadd.f32 v63, v33;
	[tilespmem:v8+s10+$0x0] =	vst.idx.msk vm0, v57;
	v8, _, _ =	vpop (xrf2);
	v13 =	vld [tilespmem:s15+$0x30];
	v22 =	vbroadcast v22, $0x0  }
0x200: {  	s25 =	sadd.s32 $0x2, s14;
	v52 =	vmul.f32 v47, v46;
	v26 =	vmul.f32 v40, v38;
	[tilespmem:v15+s10+$0x0] =	vst.idx.msk vm0, v8;
	v8, _, _ =	vpop (xrf2);
	v14 =	vld [tilespmem:s15+$0x70];
	(xrf2) =	vadd.scan.msk.f32 $0xffff, v18  }
0x201: {  	s26 =	sadd.s32 $0x3, s14;
	v3 =	vadd.f32 v12, v3;
	v58 =	vmov s25;
	v15 =	vmul.f32 v36, v62;
	[tilespmem:v50+s10+$0x0] =	vst.idx.msk vm0, v8;
	v8, _, _ =	vpop (xrf2);
	v18 =	vld [tilespmem:s15+$0x130]  }
0x202: {  	v63 =	vld [tilespmem:s16+$0x170];
	v62 =	vmov s26;
	v60 =	vand.u32 $0xFFFFFFF2, v58;
	[tilespmem:v4+s10+$0x0] =	vst.idx.msk vm0, v8;
	v4, _, _ =	vpop (xrf2);
	v1 =	vmul.f32 v1, v19  }
0x203: {  	v12 =	vld [tilespmem:s15+$0x230];
	v23 =	vbroadcast v60, $0x0;
	v8 =	vand.u32 $0xFFFFFFF3, v62;
	[tilespmem:v7+s10+$0x0] =	vst.idx.msk vm0, v4;
	v4 =	vadd.f32 v15, v10;
	v7, _, _ =	vpop (xrf2)  }
0x204: {  	s28 =	sadd.s32 $0x4, s14;
	v8 =	vbroadcast v8, $0x0;
	v10 =	vld [tilespmem:s16+$0x230];
	v1 =	vadd.f32 v1, v11;
	[tilespmem:v21+s10+$0x0] =	vst.idx.msk vm0, v7;
	v7 =	vmul.f32 v17, v13;
	v11, _, _ =	vpop (xrf2)  }
0x205: {  	(xrf2) =	vadd.scan.msk.f32 $0xffff, v3;
	v3 =	vmul.f32 v56, v14;
	v14 =	vld [tilespmem:s16+$0x270];
	[tilespmem:v22+s10+$0x0] =	vst.idx.msk vm0, v11;
	v11 =	vmov s28  }
0x206: {  	s29 =	sadd.s32 $0x5, s14;
	v0 =	vadd.f32 v26, v0;
	v13 =	vld [tilespmem:s15+$0x270];
	v5 =	vadd.f32 v7, v5;
	v7 =	vmul.f32 v59, v18  }
0x207: {  	[tilespmem:v20+s10+$0x0] =	vst.idx.msk vm0, v51;
	(xrf2) =	vadd.scan.msk.f32 $0xffff, v4;
	v3 =	vadd.f32 v3, v9;
	v9 =	vmov s29  }
0x208: {  	v15 =	vld [tilespmem:s15+$0x330];
	(xrf2) =	vadd.scan.msk.f32 $0xffff, v0;
	v4 =	vand.u32 $0xFFFFFFF4, v11;
	v2 =	vadd.f32 v7, v2;
	v7 =	vmul.f32 v63, v61;
	v11, _, _ =	vpop (xrf2)  }
0x209: {  	v16 =	vadd.f32 v42, v29;
	v20 =	vmul.f32 v43, v48;
	(xrf2) =	vadd.scan.msk.f32 $0xffff, v1;
	[tilespmem:v23+s10+$0x0] =	vst.idx.msk vm0, v11;
	v11 =	vld [tilespmem:s16+$0x330]  }
0x20a: {  	s30 =	sadd.s32 $0x6, s14;
	v24 =	vadd.f32 v52, v44;
	v0 =	vand.u32 $0xFFFFFFF5, v9;
	(xrf2) =	vadd.scan.msk.f32 $0xffff, v5;
	v9, _, _ =	vpop (xrf2);
	v1 =	vadd.f32 v7, v6  }
0x20b: {  	v7 =	vmul.f32 v14, v13;
	[tilespmem:v8+s10+$0x0] =	vst.idx.msk vm0, v9;
	v8 =	vmul.f32 v10, v12;
	v9 =	vmov s30  }
0x20c: {  	s31 =	sadd.s32 $0x7, s14;
	v20 =	vadd.f32 v20, v45;
	v4 =	vbroadcast v4, $0x0;
	(xrf2) =	vadd.scan.msk.f32 $0xffff, v3;
	v6 =	vand.u32 $0xFFFFFFF6, v9  }
0x20d: {  	(xrf2) =	vadd.scan.msk.f32 $0xffff, v2;
	v2 =	vadd.f32 v7, v24;
	v5 =	vadd.f32 v8, v16;
	v8 =	vmov s31  }
0x20e: {  	s16 =	sadd.s32 $0x8, s14;
	v3 =	vbroadcast v6, $0x0;
	v8 =	vand.u32 $0xFFFFFFF7, v8;
	v6 =	vmul.f32 v11, v15  }
0x20f: {  	s17 =	sadd.s32 $0x9, s14;
	v0 =	vbroadcast v0, $0x0;
	(xrf2) =	vadd.scan.msk.f32 $0xffff, v1;
	v7 =	vbroadcast v8, $0x0;
	v8 =	vmov s16  }
0x210: {  	s18 =	sadd.s32 $0xA, s14;
	(xrf2) =	vadd.scan.msk.f32 $0xffff, v5;
	v1 =	vadd.f32 v6, v20;
	v6 =	vand.u32 $0xFFFFFFF8, v8;
	v8 =	vmov s17  }
0x211: {  	s19 =	sadd.s32 $0xB, s14;
	(xrf2) =	vadd.scan.msk.f32 $0xffff, v2;
	v2, _, _ =	vpop (xrf2);
	v5 =	vbroadcast v6, $0x0;
	v6 =	vand.u32 $0xFFFFFFF9, v8;
	v8 =	vmov s18  }
0x212: {  	s20 =	sadd.s32 $0xC, s14;
	v9 =	vmov s19;
	[tilespmem:v4+s10+$0x0] =	vst.idx.msk vm0, v2;
	v8 =	vand.u32 $0xFFFFFFFA, v8  }
0x213: {  	v6 =	vbroadcast v6, $0x0;
	(xrf2) =	vadd.scan.msk.f32 $0xffff, v1;
	v2 =	vbroadcast v8, $0x0;
	v8 =	vmov s20  }
0x214: {  	s21 =	sadd.s32 $0xD, s14;
	v4 =	vand.u32 $0xFFFFFFFB, v9;
	v1, _, _ =	vpop (xrf2)  }
0x215: {  	s22 =	sadd.s32 $0xE, s14;
	v9, _, _ =	vpop (xrf2);
	[tilespmem:v0+s10+$0x0] =	vst.idx.msk vm0, v1;
	v0 =	vbroadcast v4, $0x0;
	v1 =	vand.u32 $0xFFFFFFFC, v8;
	v4 =	vmov s21  }
0x216: {  	v8, _, _ =	vpop (xrf2);
	[tilespmem:v3+s10+$0x0] =	vst.idx.msk vm0, v9;
	v1 =	vbroadcast v1, $0x0;
	v3 =	vand.u32 $0xFFFFFFFD, v4;
	v4 =	vmov s22  }
0x217: {  	v9, _, _ =	vpop (xrf2);
	[tilespmem:v7+s10+$0x0] =	vst.idx.msk vm0, v8;
	v3 =	vbroadcast v3, $0x0;
	v4 =	vand.u32 $0xFFFFFFFE, v4  }
0x218: {  	v7, _, _ =	vpop (xrf2);
	[tilespmem:v5+s10+$0x0] =	vst.idx.msk vm0, v9;
	v4 =	vbroadcast v4, $0x0  }
0x219: {  	[tilespmem:v6+s10+$0x0] =	vst.idx.msk vm0, v7;
	v5, _, _ =	vpop (xrf2)  }
0x21a: {  	[tilespmem:v2+s10+$0x0] =	vst.idx.msk vm0, v5;
	v2, _, _ =	vpop (xrf2)  }
0x21b: {  	[tilespmem:v0+s10+$0x0] =	vst.idx.msk vm0, v2;
	v0, _, _ =	vpop (xrf2)  }
0x21c: {  	[tilespmem:v1+s10+$0x0] =	vst.idx.msk vm0, v0;
	v0, _, _ =	vpop (xrf2)  }
0x21d: {  	[tilespmem:v3+s10+$0x0] =	vst.idx.msk vm0, v0;
	v0, _, _ =	vpop (xrf2)  }
0x21e: {  	[tilespmem:v4+s10+$0x0] =	vst.idx.msk vm0, v0  }
0x21f: {  	_ =	swait.ge [sflag:s11], $0x1000  }
0x220: {  	[sflag:s11] =	ssyncset.done $0x0  }
0x221: {  	[sflag:s11] =	ssyncadd.s32 $0xFFFFF000  }
0x222: {  	_ =	swait.ge [sflag:s11], $0x1000  }
0x223: {  	[sflag:s11] =	ssyncset.done $0x0  }
0x224: {  	s23 =	simm.s32 $0x480;
	[sflag:s11] =	ssyncadd.s32 $0xFFFFF000  }
0x225: {  	v0 =	vld [tilespmem:s23+$0x360];
	_ =	sdelay $0x1  }
0x226: {  	s14 =	simm.s32 $0x2480;
	v63 =	vld [tilespmem:s23+$0x340]  }
0x227: {  	v2 =	vld [tilespmem:s14+$0x340]  }
0x228: {  	v3 =	vld [tilespmem:s23+$0x350]  }
0x229: {  	v4 =	vld [tilespmem:s14+$0x350];
	[tilespmem:$0x1FD40] =	vst v0  }
0x22a: {  	v0 =	vld [tilespmem:s23+$0x370];
	_ =	sdelay $0x4  }
0x22b: {  	v6 =	vld [tilespmem:s14+$0x360];
	[tilespmem:$0x1FD50] =	vst v0  }
0x22c: {  	v0 =	vld [tilespmem:s14+$0xFFFFFC00];
	_ =	sdelay $0x4  }
0x22d: {  	v8 =	vld [tilespmem:s14+$0x370];
	[tilespmem:$0x1FD70] =	vst v0  }
0x22e: {  	v0 =	vld [tilespmem:s23+$0xFFFFFC10];
	_ =	sdelay $0x4  }
0x22f: {  	[tilespmem:$0x1FD60] =	vst v0  }
0x230: {  	v10 =	vld [tilespmem:s14+$0xFFFFFC10]  }
0x231: {  	v11 =	vld [tilespmem:s23+$0xFFFFFC40]  }
0x232: {  	v12 =	vld [tilespmem:s14+$0xFFFFFC40]  }
0x233: {  	v13 =	vld [tilespmem:s23+$0xFFFFFC50]  }
0x234: {  	v14 =	vld [tilespmem:s14+$0xFFFFFC50]  }
0x235: {  	v15 =	vld [tilespmem:s23+$0xFFFFFD00]  }
0x236: {  	v16 =	vld [tilespmem:s14+$0xFFFFFD00]  }
0x237: {  	v17 =	vld [tilespmem:s23+$0xFFFFFD10]  }
0x238: {  	v18 =	vld [tilespmem:s14+$0xFFFFFD10]  }
0x239: {  	v19 =	vld [tilespmem:s23+$0xFFFFFD40]  }
0x23a: {  	v20 =	vld [tilespmem:s14+$0xFFFFFD40]  }
0x23b: {  	v21 =	vld [tilespmem:s23+$0xFFFFFD50]  }
0x23c: {  	v22 =	vld [tilespmem:s14+$0xFFFFFD50]  }
0x23d: {  	v23 =	vld [tilespmem:s23+$0xFFFFFE00]  }
0x23e: {  	v24 =	vld [tilespmem:s14+$0xFFFFFE00]  }
0x23f: {  	v25 =	vld [tilespmem:s23+$0xFFFFFE10]  }
0x240: {  	v26 =	vld [tilespmem:s14+$0xFFFFFE10]  }
0x241: {  	v27 =	vld [tilespmem:s23+$0xFFFFFE40]  }
0x242: {  	v28 =	vld [tilespmem:s14+$0xFFFFFE40]  }
0x243: {  	v29 =	vld [tilespmem:s23+$0xFFFFFE50]  }
0x244: {  	v30 =	vld [tilespmem:s14+$0xFFFFFE50]  }
0x245: {  	v31 =	vld [tilespmem:s23+$0xFFFFFF00]  }
0x246: {  	v32 =	vld [tilespmem:s14+$0xFFFFFF00]  }
0x247: {  	v33 =	vld [tilespmem:s23+$0xFFFFFF10]  }
0x248: {  	v34 =	vld [tilespmem:s14+$0xFFFFFF10]  }
0x249: {  	v35 =	vld [tilespmem:s23+$0xFFFFFF40]  }
0x24a: {  	v36 =	vld [tilespmem:s14+$0xFFFFFF40]  }
0x24b: {  	v37 =	vld [tilespmem:s23+$0xFFFFFF50]  }
0x24c: {  	v38 =	vld [tilespmem:s14+$0xFFFFFF50]  }
0x24d: {  	v39 =	vld [tilespmem:s23+$0x0]  }
0x24e: {  	v40 =	vld [tilespmem:s14+$0x0]  }
0x24f: {  	v41 =	vld [tilespmem:s23+$0x10]  }
0x250: {  	v42 =	vld [tilespmem:s14+$0x10]  }
0x251: {  	v43 =	vld [tilespmem:s23+$0x40]  }
0x252: {  	v44 =	vld [tilespmem:s14+$0x40]  }
0x253: {  	v45 =	vld [tilespmem:s23+$0x50]  }
0x254: {  	v46 =	vld [tilespmem:s14+$0x50]  }
0x255: {  	v47 =	vld [tilespmem:s23+$0x100]  }
0x256: {  	v48 =	vld [tilespmem:s14+$0x100]  }
0x257: {  	v49 =	vld [tilespmem:s23+$0x110]  }
0x258: {  	v50 =	vld [tilespmem:s14+$0x110]  }
0x259: {  	v51 =	vld [tilespmem:s23+$0x140]  }
0x25a: {  	v52 =	vld [tilespmem:s14+$0x140]  }
0x25b: {  	v53 =	vld [tilespmem:s23+$0x150]  }
0x25c: {  	v54 =	vld [tilespmem:s14+$0x150]  }
0x25d: {  	v55 =	vld [tilespmem:s23+$0x200]  }
0x25e: {  	v56 =	vld [tilespmem:s14+$0x200]  }
0x25f: {  	v57 =	vld [tilespmem:s23+$0x210]  }
0x260: {  	v0 =	vld [tilespmem:s23+$0x300]  }
0x261: {  	v58 =	vld [tilespmem:s14+$0x210]  }
0x262: {  	v59 =	vld [tilespmem:s23+$0x240]  }
0x263: {  	v60 =	vld [tilespmem:s14+$0x240]  }
0x264: {  	v61 =	vld [tilespmem:s23+$0x250]  }
0x265: {  	v62 =	vld [tilespmem:s14+$0x250];
	[tilespmem:$0x1FD80] =	vst v0  }
0x266: {  	v0 =	vld [tilespmem:s14+$0x300];
	_ =	sdelay $0x4  }
0x267: {  	[tilespmem:$0x1FD90] =	vst v0  }
0x268: {  	v0 =	vld [tilespmem:s23+$0x310];
	_ =	sdelay $0x4  }
0x269: {  	[tilespmem:$0x1FDA0] =	vst v0  }
0x26a: {  	v0 =	vld [tilespmem:s14+$0x310];
	_ =	sdelay $0x4  }
0x26b: {  	[tilespmem:$0x1FDB0] =	vst v0  }
0x26c: {  	v1 =	vld [tilespmem:s23+$0xFFFFFC20];
	_ =	sdelay $0x4  }
0x26d: {  	v0 =	vld [tilespmem:s23+$0xFFFFFC00];
	[tilespmem:$0x1FDC0] =	vst v1  }
0x26e: {  	v5 =	vld [tilespmem:s23+$0xFFFFFD20];
	_ =	sdelay $0x2  }
0x26f: {  	v7 =	vld [tilespmem:s14+$0xFFFFFC20]  }
0x270: {  	v9 =	vld [tilespmem:s23+$0xFFFFFC60]  }
0x271: {  	v1 =	vld [tilespmem:s14+$0xFFFFFC60];
	[tilespmem:$0x1FDD0] =	vst v5  }
0x272: {  	v5 =	vld [tilespmem:s14+$0xFFFFFD20];
	_ =	sdelay $0x4  }
0x273: {  	[tilespmem:$0x1FDE0] =	vst v5  }
0x274: {  	v5 =	vld [tilespmem:s23+$0xFFFFFD60];
	_ =	sdelay $0x4  }
0x275: {  	[tilespmem:$0x1FDF0] =	vst v5  }
0x276: {  	v5 =	vld [tilespmem:s14+$0xFFFFFD60];
	_ =	sdelay $0x4  }
0x277: {  	[tilespmem:$0x1FE00] =	vst v5  }
0x278: {  	v5 =	vld [tilespmem:s23+$0xFFFFFE20];
	_ =	sdelay $0x4  }
0x279: {  	[tilespmem:$0x1FE10] =	vst v5  }
0x27a: {  	v5 =	vld [tilespmem:s14+$0xFFFFFE20];
	_ =	sdelay $0x4  }
0x27b: {  	[tilespmem:$0x1FE20] =	vst v5  }
0x27c: {  	v5 =	vld [tilespmem:s23+$0xFFFFFE60];
	_ =	sdelay $0x2  }
0x27d: {  	v2 =	vmul.f32 v2, v63;
	v3 =	vmul.f32 v4, v3;
	_ =	sdelay $0x1  }
0x27e: {  	v2 =	vadd.f32 v3, v2;
	v3 =	vld [tilespmem:$0x1FD40];
	[tilespmem:$0x1FE30] =	vst v5  }
0x27f: {  	v5 =	vld [tilespmem:s14+$0xFFFFFE60];
	_ =	sdelay $0x4  }
0x280: {  	v3 =	vmul.f32 v6, v3;
	[tilespmem:$0x1FE40] =	vst v5  }
0x281: {  	v5 =	vld [tilespmem:s23+$0xFFFFFF20]  }
0x282: {  	v2 =	vadd.f32 v3, v2;
	v3 =	vld [tilespmem:$0x1FD60];
	v43 =	vmul.f32 v44, v43;
	v44 =	vmul.f32 v46, v45  }
0x283: {  	v46 =	vmul.f32 v50, v49;
	v49 =	vmul.f32 v56, v55;
	v55 =	vld [tilespmem:$0x1FD70];
	_ =	sdelay $0x2  }
0x284: {  	[tilespmem:$0x1FE50] =	vst v5  }
0x285: {  	v5 =	vld [tilespmem:s14+$0xFFFFFF20]  }
0x286: {  	v3 =	vmul.f32 v10, v3;
	v0 =	vmul.f32 v55, v0;
	_ =	sdelay $0x1  }
0x287: {  	v0 =	vadd.f32 v3, v0;
	v3 =	vld [tilespmem:$0x1FDC0];
	_ =	sdelay $0x1  }
0x288: {  	[tilespmem:$0x1FE60] =	vst v5  }
0x289: {  	v5 =	vld [tilespmem:s23+$0xFFFFFF60]  }
0x28a: {  	v10 =	vmul.f32 v12, v11;
	v12 =	vmul.f32 v14, v13  }
0x28b: {  	v3 =	vmul.f32 v7, v3  }
0x28c: {  	v10 =	vadd.f32 v12, v10;
	v1 =	vmul.f32 v1, v9  }
0x28d: {  	v0 =	vadd.f32 v3, v0;
	v3 =	vld [tilespmem:$0x1FDF0]  }
0x28e: {  	v13 =	vmul.f32 v16, v15;
	v1 =	vadd.f32 v1, v10;
	v10 =	vld [tilespmem:$0x1FE00];
	[tilespmem:$0x1FE70] =	vst v5  }
0x28f: {  	v15 =	vmul.f32 v20, v19;
	v45 =	vmul.f32 v48, v47;
	v5 =	vld [tilespmem:s14+$0xFFFFFF60]  }
0x290: {  	v47 =	vmul.f32 v52, v51;
	v51 =	vmul.f32 v58, v57;
	v57 =	vld [tilespmem:$0x1FD90]  }
0x291: {  	v40 =	vmul.f32 v40, v39;
	v42 =	vmul.f32 v42, v41;
	v58 =	vld [tilespmem:$0x1FDB0]  }
0x292: {  	v52 =	vmul.f32 v60, v59;
	v12 =	vmul.f32 v22, v21;
	v60 =	vld [tilespmem:$0x1FDD0]  }
0x293: {  	v48 =	vmul.f32 v54, v53;
	v54 =	vmul.f32 v62, v61;
	v61 =	vld [tilespmem:$0x1FDE0]  }
0x294: {  	v21 =	vadd.f32 v42, v40;
	v12 =	vadd.f32 v12, v15;
	v3 =	vmul.f32 v10, v3;
	v42 =	vld [tilespmem:$0x1FE10];
	[tilespmem:$0x1FE80] =	vst v5  }
0x295: {  	v4 =	vld [tilespmem:s23+$0x20]  }
0x296: {  	v3 =	vadd.f32 v3, v12;
	v12 =	vld [tilespmem:$0x1FE50]  }
0x297: {  	v19 =	vmul.f32 v28, v27;
	v27 =	vadd.f32 v48, v47;
	v47 =	vld [tilespmem:$0x1FE60]  }
0x298: {  	v15 =	vmul.f32 v30, v29;
	v29 =	vadd.f32 v51, v49;
	v49 =	vld [tilespmem:$0x1FE70]  }
0x299: {  	v5 =	vld [tilespmem:$0x1FD80]  }
0x29a: {  	[tilespmem:$0x1FE90] =	vst v4;
	v4 =	vld [tilespmem:$0x1FD50]  }
0x29b: {  	v63 =	vld [tilespmem:s14+$0x20]  }
0x29c: {  	v6 =	vld [tilespmem:s23+$0x60]  }
0x29d: {  	v11 =	vld [tilespmem:s23+$0x120]  }
0x29e: {  	v14 =	vld [tilespmem:s14+$0x120]  }
0x29f: {  	v16 =	vld [tilespmem:s23+$0x160]  }
0x2a0: {  	v20 =	vld [tilespmem:s23+$0x220]  }
0x2a1: {  	v22 =	vld [tilespmem:s14+$0x220]  }
0x2a2: {  	v28 =	vld [tilespmem:s23+$0x320]  }
0x2a3: {  	v30 =	vld [tilespmem:s14+$0x320]  }
0x2a4: {  	v50 =	vld [tilespmem:s14+$0xFFFFFC30]  }
0x2a5: {  	v53 =	vld [tilespmem:s23+$0xFFFFFC70]  }
0x2a6: {  	v56 =	vld [tilespmem:s14+$0xFFFFFC70]  }
0x2a7: {  	v59 =	vld [tilespmem:s23+$0xFFFFFD30]  }
0x2a8: {  	v7 =	vld [tilespmem:s14+$0xFFFFFD30]  }
0x2a9: {  	v62 =	vld [tilespmem:s23+$0xFFFFFD70]  }
0x2aa: {  	v10 =	vld [tilespmem:s14+$0xFFFFFD70];
	v8 =	vmul.f32 v8, v4  }
0x2ab: {  	v48 =	vld [tilespmem:s14+$0xFFFFFE30]  }
0x2ac: {  	v51 =	vld [tilespmem:s23+$0xFFFFFE70];
	v2 =	vadd.f32 v8, v2;
	v8 =	vmul.f32 v18, v17  }
0x2ad: {  	v9 =	vadd.f32 v54, v52;
	v52 =	vld [tilespmem:$0x1FE90]  }
0x2ae: {  	v54 =	vld [tilespmem:s14+$0x30];
	v17 =	vmul.f32 v24, v23;
	v8 =	vadd.f32 v8, v13;
	v13 =	vmul.f32 v26, v25  }
0x2af: {  	v4 =	vld [tilespmem:s14+$0x60]  }
0x2b0: {  	v32 =	vmul.f32 v32, v31;
	v18 =	vld [tilespmem:s14+$0x160];
	v13 =	vadd.f32 v13, v17;
	v17 =	vmul.f32 v34, v33  }
0x2b1: {  	v36 =	vmul.f32 v36, v35;
	v23 =	vadd.f32 v44, v43;
	v43 =	vld [tilespmem:$0x1FE20]  }
0x2b2: {  	v15 =	vadd.f32 v15, v19;
	v19 =	vmul.f32 v38, v37;
	v17 =	vadd.f32 v17, v32;
	v32 =	vld [tilespmem:s23+$0xFFFFFC30]  }
0x2b3: {  	v31 =	vmul.f32 v61, v60;
	v12 =	vmul.f32 v47, v12;
	v44 =	vld [tilespmem:$0x1FE30]  }
0x2b4: {  	v11 =	vmul.f32 v14, v11;
	v25 =	vadd.f32 v46, v45;
	v45 =	vld [tilespmem:$0x1FE40];
	(xrf2) =	vadd.scan.msk.f32 $0xffff, v2;
	v2 =	vmul.f32 v56, v53  }
0x2b5: {  	v19 =	vadd.f32 v19, v36;
	v4 =	vmul.f32 v4, v6;
	v33 =	vmul.f32 v57, v5;
	v5 =	vld [tilespmem:$0x1FDA0]  }
0x2b6: {  	v46 =	vld [tilespmem:s23+$0xFFFFFE30];
	v8 =	vadd.f32 v31, v8;
	v1 =	vadd.f32 v2, v1;
	v2 =	vmul.f32 v7, v59  }
0x2b7: {  	s25 =	simm.s32 $0x4F;
	v53 =	vadd.f32 v11, v25;
	v11 =	vmul.f32 v22, v20;
	v32 =	vmul.f32 v50, v32;
	v50 =	vld [tilespmem:$0x1FE80]  }
0x2b8: {  	v20 =	vmov s25;
	v31 =	vmul.f32 v43, v42;
	v12 =	vadd.f32 v12, v17;
	v17 =	vld [tilespmem:s14+$0xFFFFFE70]  }
0x2b9: {  	v55 =	vld [tilespmem:s23+$0x70];
	v4 =	vadd.f32 v4, v23;
	v2 =	vadd.f32 v2, v8;
	v8 =	vmul.f32 v10, v62  }
0x2ba: {  	v24 =	vld [tilespmem:s23+$0x260];
	v35 =	vmul.f32 v45, v44;
	v5 =	vmul.f32 v58, v5;
	v0 =	vadd.f32 v32, v0  }
0x2bb: {  	v26 =	vld [tilespmem:s14+$0x260];
	v13 =	vadd.f32 v31, v13;
	v60 =	vmul.f32 v48, v46;
	v8 =	vadd.f32 v8, v3  }
0x2bc: {  	s24 =	simm.s32 $0x40;
	v6 =	vld [tilespmem:s23+$0xFFFFFF30];
	v15 =	vadd.f32 v35, v15;
	v5 =	vadd.f32 v5, v33;
	(xrf2) =	vadd.scan.msk.f32 $0xffff, v0;
	v31 =	vmul.f32 v50, v49  }
0x2bd: {  	s26 =	simm.s32 $0x41;
	v17 =	vmul.f32 v17, v51;
	v0 =	vld [tilespmem:s14+$0xFFFFFF30];
	(xrf2) =	vadd.scan.msk.f32 $0xffff, v1;
	v1 =	vmul.f32 v18, v16;
	v16 =	vmov s24  }
0x2be: {  	v14 =	vld [tilespmem:s23+$0xFFFFFF70];
	v16 =	vand.u32 $0xFFFFFFF0, v16;
	(xrf2) =	vadd.scan.msk.f32 $0xffff, v2;
	v2 =	vmov s26;
	v19 =	vadd.f32 v31, v19  }
0x2bf: {  	v10 =	vld [tilespmem:s14+$0xFFFFFF70];
	v31 =	vmul.f32 v63, v52;
	v3 =	vadd.f32 v1, v27;
	v16 =	vbroadcast v16, $0x0  }
0x2c0: {  	s28 =	simm.s32 $0x42;
	v56 =	vld [tilespmem:s14+$0x70];
	v1 =	vadd.f32 v11, v29;
	v2 =	vand.u32 $0xFFFFFFF1, v2;
	(xrf2) =	vadd.scan.msk.f32 $0xffff, v8;
	v8 =	vmul.f32 v30, v28  }
0x2c1: {  	v18 =	vld [tilespmem:s23+$0x30];
	v11 =	vmul.f32 v26, v24;
	v57 =	vbroadcast v2, $0x0;
	v2 =	vmov s28  }
0x2c2: {  	v62 =	vld [tilespmem:s14+$0x130];
	v59, _, _ =	vpop (xrf2);
	v6 =	vmul.f32 v0, v6;
	v0 =	vadd.f32 v8, v5;
	v5 =	vadd.f32 v60, v13  }
0x2c3: {  	s29 =	simm.s32 $0x43;
	v58 =	vld [tilespmem:s23+$0x130];
	[tilespmem:v20+s10+$0x0] =	vst.idx.msk vm0, v59;
	v7 =	vadd.f32 v31, v21;
	v61 =	vand.u32 $0xFFFFFFF2, v2;
	v2 =	vadd.f32 v11, v9  }
0x2c4: {  	v20 =	vld [tilespmem:s23+$0x170];
	v8 =	vmul.f32 v10, v14;
	v10 =	vmov s29;
	v11 =	vbroadcast v61, $0x0;
	(xrf2) =	vadd.scan.msk.f32 $0xffff, v5  }
0x2c5: {  	v63 =	vld [tilespmem:s14+$0x170];
	v14 =	vadd.f32 v17, v15;
	v15 =	vadd.f32 v6, v12;
	v5 =	vand.u32 $0xFFFFFFF3, v10  }
0x2c6: {  	s30 =	simm.s32 $0x44;
	v13 =	vld [tilespmem:s14+$0x230];
	v6 =	vadd.f32 v8, v19;
	v8 =	vmul.f32 v54, v18;
	v12 =	vbroadcast v5, $0x0;
	v9, _, _ =	vpop (xrf2)  }
0x2c7: {  	v5 =	vmul.f32 v56, v55;
	(xrf2) =	vadd.scan.msk.f32 $0xffff, v14;
	[tilespmem:v16+s10+$0x0] =	vst.idx.msk vm0, v9;
	v9 =	vld [tilespmem:s23+$0x230];
	v16 =	vmov s30  }
0x2c8: {  	v7 =	vadd.f32 v8, v7;
	v14 =	vld [tilespmem:s14+$0x270];
	v10, _, _ =	vpop (xrf2);
	v8 =	vand.u32 $0xFFFFFFF4, v16;
	v16 =	vmul.f32 v62, v58  }
0x2c9: {  	s31 =	simm.s32 $0x45;
	v5 =	vadd.f32 v5, v4;
	[tilespmem:v57+s10+$0x0] =	vst.idx.msk vm0, v10;
	v10 =	vld [tilespmem:s23+$0x270];
	v17, _, _ =	vpop (xrf2);
	(xrf2) =	vadd.scan.msk.f32 $0xffff, v15;
	v8 =	vbroadcast v8, $0x0  }
0x2ca: {  	v15 =	vld [tilespmem:s14+$0x330];
	[tilespmem:v11+s10+$0x0] =	vst.idx.msk vm0, v17;
	v17 =	vmov s31;
	v4 =	vadd.f32 v16, v53;
	v16 =	vmul.f32 v63, v20  }
0x2cb: {  	s15 =	simm.s32 $0xFFFFFFF0;
	s16 =	simm.s32 $0x0;
	s17 =	simm.s32 $0xC80;
	v11 =	vld [tilespmem:s23+$0x330];
	v18, _, _ =	vpop (xrf2);
	v17 =	vand.u32 $0xFFFFFFF5, v17  }
.LBB2_12:
0x2cc: {  	v19 =	vld [tilespmem:s17+$0x340];
	[tilespmem:v12+s10+$0x0] =	vst.idx.msk vm0, v18;
	v12 =	vbroadcast v17, $0x0;
	s19 =	sadd.s32 $0x56, s15;
	v3 =	vadd.f32 v16, v3;
	v9 =	vmul.f32 v13, v9;
	s14 =	sadd.s32 $0x800, s14;
	s18 =	smov.u32 s16  }
0x2cd: {  	v13 =	vld [tilespmem:s14+$0x340];
	v16 =	vmov s19;
	(xrf2) =	vadd.scan.msk.f32 $0xffff, v6  }
0x2ce: {  	v6 =	vld [tilespmem:s17+$0x350];
	v16 =	vand.u32 $0xFFFFFFF6, v16;
	v9 =	vadd.f32 v9, v1;
	v1 =	vmul.f32 v14, v10;
	v10, _, _ =	vpop (xrf2)  }
0x2cf: {  	s16 =	sadd.s32 $0x10, s16;
	s19 =	sadd.s32 $0x57, s15;
	v14 =	vld [tilespmem:s14+$0x350];
	[tilespmem:v8+s10+$0x0] =	vst.idx.msk vm0, v10;
	v8 =	vbroadcast v16, $0x0  }
0x2d0: {  	p0 =	slt.u32 s16, $0x30;
	v16 =	vmov s19;
	v10 =	vld [tilespmem:s17+$0x360];
	v17 =	vadd.f32 v1, v2;
	v1 =	vmul.f32 v15, v11;
	(xrf2) =	vadd.scan.msk.f32 $0xffff, v7  }
0x2d1: {  	v7 =	vand.u32 $0xFFFFFFF7, v16;
	v2 =	vld [tilespmem:s14+$0x360];
	v11, _, _ =	vpop (xrf2)  }
0x2d2: {  	s19 =	sadd.s32 $0x58, s15;
	v7 =	vbroadcast v7, $0x0;
	v15 =	vld [tilespmem:s17+$0x370];
	[tilespmem:v12+s10+$0x0] =	vst.idx.msk vm0, v11;
	v11 =	vadd.f32 v1, v0  }
0x2d3: {  	v12 =	vmov s19;
	v1 =	vld [tilespmem:s14+$0x370];
	(xrf2) =	vadd.scan.msk.f32 $0xffff, v5  }
0x2d4: {  	v5 =	vmul.f32 v13, v19;
	v12 =	vand.u32 $0xFFFFFFF8, v12;
	v0 =	vld [tilespmem:s14+$0xFFFFFC00];
	v6 =	vmul.f32 v14, v6;
	v13, _, _ =	vpop (xrf2)  }
0x2d5: {  	s19 =	sadd.s32 $0x59, s15;
	v14 =	vld [tilespmem:s17+$0xFFFFFC10];
	[tilespmem:v8+s10+$0x0] =	vst.idx.msk vm0, v13;
	v8 =	vbroadcast v12, $0x0  }
0x2d6: {  	v12 =	vld [tilespmem:s14+$0xFFFFFC10];
	v5 =	vadd.f32 v6, v5;
	v2 =	vmul.f32 v2, v10;
	v6 =	vmov s19;
	(xrf2) =	vadd.scan.msk.f32 $0xffff, v4  }
0x2d7: {  	v4 =	vld [tilespmem:s17+$0xFFFFFC40];
	v6 =	vand.u32 $0xFFFFFFF9, v6;
	v10, _, _ =	vpop (xrf2)  }
0x2d8: {  	s19 =	sadd.s32 $0x5A, s15;
	v13 =	vld [tilespmem:s14+$0xFFFFFC40];
	v2 =	vadd.f32 v2, v5;
	v1 =	vmul.f32 v1, v15;
	[tilespmem:v7+s10+$0x0] =	vst.idx.msk vm0, v10;
	v5 =	vbroadcast v6, $0x0  }
0x2d9: {  	v7 =	vmov s19;
	v6 =	vld [tilespmem:s17+$0xFFFFFC50];
	(xrf2) =	vadd.scan.msk.f32 $0xffff, v3  }
0x2da: {  	v7 =	vand.u32 $0xFFFFFFFA, v7;
	v3 =	vld [tilespmem:s14+$0xFFFFFC50];
	v2 =	vadd.f32 v1, v2;
	v10, _, _ =	vpop (xrf2)  }
0x2db: {  	s19 =	sadd.s32 $0x5B, s15;
	v7 =	vbroadcast v7, $0x0;
	v1 =	vmul.f32 v12, v14;
	v12 =	vld [tilespmem:s17+$0xFFFFFD00];
	[tilespmem:v8+s10+$0x0] =	vst.idx.msk vm0, v10  }
0x2dc: {  	v8 =	vld [tilespmem:s14+$0xFFFFFD00];
	(xrf2) =	vadd.scan.msk.f32 $0xffff, v2;
	v2 =	vmov s19  }
0x2dd: {  	v4 =	vmul.f32 v13, v4;
	v10 =	vld [tilespmem:s17+$0xFFFFFD10];
	v2 =	vand.u32 $0xFFFFFFFB, v2;
	v13, _, _ =	vpop (xrf2)  }
0x2de: {  	v14 =	vld [tilespmem:s14+$0xFFFFFD10];
	[tilespmem:v5+s10+$0x0] =	vst.idx.msk vm0, v13;
	v5 =	vbroadcast v2, $0x0  }
0x2df: {  	v2 =	vmul.f32 v3, v6;
	v6 =	vld [tilespmem:s17+$0xFFFFFD40];
	(xrf2) =	vadd.scan.msk.f32 $0xffff, v9  }
0x2e0: {  	v9 =	vld [tilespmem:s14+$0xFFFFFD40];
	v3, _, _ =	vpop (xrf2)  }
0x2e1: {  	s20 =	sadd.s32 $0x5C, s15;
	s19 =	sadd.s32 $0x5F, s18;
	v2 =	vadd.f32 v2, v4;
	v4 =	vmul.f32 v8, v12;
	v8 =	vld [tilespmem:s17+$0xFFFFFD50];
	[tilespmem:v7+s10+$0x0] =	vst.idx.msk vm0, v3  }
0x2e2: {  	v12 =	vmov s19;
	v3 =	vmov s20;
	v7 =	vld [tilespmem:s14+$0xFFFFFD50];
	(xrf2) =	vadd.scan.msk.f32 $0xffff, v17  }
0x2e3: {  	v3 =	vand.u32 $0xFFFFFFFC, v3;
	v10 =	vmul.f32 v14, v10;
	v13 =	vld [tilespmem:s17+$0xFFFFFE00];
	v14, _, _ =	vpop (xrf2)  }
0x2e4: {  	s19 =	sadd.s32 $0x5D, s15;
	v15 =	vld [tilespmem:s14+$0xFFFFFE00];
	[tilespmem:v5+s10+$0x0] =	vst.idx.msk vm0, v14;
	v5 =	vbroadcast v3, $0x0  }
0x2e5: {  	v3 =	vadd.f32 v10, v4;
	v4 =	vmul.f32 v9, v6;
	v6 =	vld [tilespmem:s17+$0xFFFFFE10];
	v9 =	vmov s19;
	(xrf2) =	vadd.scan.msk.f32 $0xffff, v11  }
0x2e6: {  	v10 =	vld [tilespmem:s14+$0xFFFFFE10];
	v11, _, _ =	vpop (xrf2);
	v9 =	vand.u32 $0xFFFFFFFD, v9  }
0x2e7: {  	s19 =	sadd.s32 $0x5E, s15;
	s15 =	smov.u32 s18;
	v7 =	vmul.f32 v7, v8;
	v8 =	vld [tilespmem:s17+$0xFFFFFE40];
	[tilespmem:v12+s10+$0x0] =	vst.idx.msk vm0, v11;
	v9 =	vbroadcast v9, $0x0  }
0x2e8: {  	v12 =	vmov s19;
	v11 =	vld [tilespmem:s14+$0xFFFFFE40]  }
0x2e9: {  	v12 =	vand.u32 $0xFFFFFFFE, v12;
	v4 =	vadd.f32 v7, v4;
	v7 =	vmul.f32 v15, v13;
	v13 =	vld [tilespmem:s17+$0xFFFFFE50];
	v14, _, _ =	vpop (xrf2)  }
0x2ea: {  	v12 =	vbroadcast v12, $0x0;
	v15 =	vld [tilespmem:s14+$0xFFFFFE50];
	[tilespmem:v5+s10+$0x0] =	vst.idx.msk vm0, v14  }
0x2eb: {  	v5 =	vmul.f32 v10, v6;
	v10 =	vld [tilespmem:s17+$0xFFFFFF00]  }
0x2ec: {  	v14 =	vld [tilespmem:s14+$0xFFFFFF00];
	v6, _, _ =	vpop (xrf2)  }
0x2ed: {  	v5 =	vadd.f32 v5, v7;
	v7 =	vmul.f32 v11, v8;
	v8 =	vld [tilespmem:s17+$0xFFFFFF10];
	[tilespmem:v9+s10+$0x0] =	vst.idx.msk vm0, v6  }
0x2ee: {  	v9 =	vld [tilespmem:s14+$0xFFFFFF10]  }
0x2ef: {  	v6 =	vmul.f32 v15, v13;
	v11 =	vld [tilespmem:s17+$0xFFFFFF40];
	v13, _, _ =	vpop (xrf2)  }
0x2f0: {  	v15 =	vld [tilespmem:s14+$0xFFFFFF40];
	[tilespmem:v12+s10+$0x0] =	vst.idx.msk vm0, v13  }
0x2f1: {  	v6 =	vadd.f32 v6, v7;
	v7 =	vmul.f32 v14, v10;
	v10 =	vld [tilespmem:s17+$0xFFFFFF50]  }
0x2f2: {  	v12 =	vld [tilespmem:s14+$0xFFFFFF50]  }
0x2f3: {  	v8 =	vmul.f32 v9, v8;
	v9 =	vld [tilespmem:s17+$0x0]  }
0x2f4: {  	v13 =	vld [tilespmem:s14+$0x0]  }
0x2f5: {  	v7 =	vadd.f32 v8, v7;
	v8 =	vmul.f32 v15, v11;
	v11 =	vld [tilespmem:s17+$0x10]  }
0x2f6: {  	v14 =	vld [tilespmem:s14+$0x10]  }
0x2f7: {  	v10 =	vmul.f32 v12, v10;
	v12 =	vld [tilespmem:s17+$0x40]  }
0x2f8: {  	v15 =	vld [tilespmem:s14+$0x40]  }
0x2f9: {  	v8 =	vadd.f32 v10, v8;
	v9 =	vmul.f32 v13, v9;
	v10 =	vld [tilespmem:s17+$0x50]  }
0x2fa: {  	v13 =	vld [tilespmem:s14+$0x50]  }
0x2fb: {  	v11 =	vmul.f32 v14, v11;
	v14 =	vld [tilespmem:s17+$0x100]  }
0x2fc: {  	v16 =	vld [tilespmem:s14+$0x100]  }
0x2fd: {  	v9 =	vadd.f32 v11, v9;
	v11 =	vmul.f32 v15, v12;
	v12 =	vld [tilespmem:s17+$0x110]  }
0x2fe: {  	v15 =	vld [tilespmem:s14+$0x110]  }
0x2ff: {  	v10 =	vmul.f32 v13, v10;
	v13 =	vld [tilespmem:s17+$0x140]  }
0x300: {  	v17 =	vld [tilespmem:s14+$0x140]  }
0x301: {  	v10 =	vadd.f32 v10, v11;
	v11 =	vmul.f32 v16, v14;
	v14 =	vld [tilespmem:s17+$0x150]  }
0x302: {  	v16 =	vld [tilespmem:s14+$0x150]  }
0x303: {  	v12 =	vmul.f32 v15, v12;
	v15 =	vld [tilespmem:s17+$0x200]  }
0x304: {  	v18 =	vld [tilespmem:s14+$0x200]  }
0x305: {  	v11 =	vadd.f32 v12, v11;
	v12 =	vmul.f32 v17, v13;
	v13 =	vld [tilespmem:s17+$0x210]  }
0x306: {  	v17 =	vld [tilespmem:s14+$0x210]  }
0x307: {  	v14 =	vmul.f32 v16, v14;
	v16 =	vld [tilespmem:s17+$0x240]  }
0x308: {  	v19 =	vld [tilespmem:s14+$0x240]  }
0x309: {  	v12 =	vadd.f32 v14, v12;
	v14 =	vmul.f32 v18, v15;
	v15 =	vld [tilespmem:s17+$0x250]  }
0x30a: {  	v18 =	vld [tilespmem:s14+$0x250]  }
0x30b: {  	v13 =	vmul.f32 v17, v13;
	v17 =	vld [tilespmem:s17+$0x300]  }
0x30c: {  	v20 =	vld [tilespmem:s14+$0x300]  }
0x30d: {  	v13 =	vadd.f32 v13, v14;
	v14 =	vmul.f32 v19, v16;
	v16 =	vld [tilespmem:s17+$0x310]  }
0x30e: {  	v19 =	vld [tilespmem:s14+$0x310]  }
0x30f: {  	v21 =	vld [tilespmem:s17+$0xFFFFFC00];
	v15 =	vmul.f32 v18, v15  }
0x310: {  	v18 =	vld [tilespmem:s17+$0xFFFFFC20]  }
0x311: {  	v22 =	vld [tilespmem:s14+$0xFFFFFC20];
	v14 =	vadd.f32 v15, v14;
	v15 =	vmul.f32 v20, v17  }
0x312: {  	v17 =	vld [tilespmem:s17+$0xFFFFFC60]  }
0x313: {  	v20 =	vld [tilespmem:s14+$0xFFFFFC60];
	v16 =	vmul.f32 v19, v16  }
0x314: {  	v0 =	vmul.f32 v0, v21;
	v19 =	vld [tilespmem:s17+$0xFFFFFD20]  }
0x315: {  	v21 =	vld [tilespmem:s14+$0xFFFFFD20];
	v15 =	vadd.f32 v16, v15  }
0x316: {  	v0 =	vadd.f32 v1, v0;
	v1 =	vmul.f32 v22, v18;
	v16 =	vld [tilespmem:s17+$0xFFFFFD60]  }
0x317: {  	v18 =	vld [tilespmem:s14+$0xFFFFFD60]  }
0x318: {  	v22 =	vadd.f32 v1, v0;
	v0 =	vmul.f32 v20, v17;
	v1 =	vld [tilespmem:s17+$0xFFFFFE20]  }
0x319: {  	v17 =	vld [tilespmem:s14+$0xFFFFFE20]  }
0x31a: {  	v20 =	vadd.f32 v0, v2;
	v0 =	vmul.f32 v21, v19;
	v2 =	vld [tilespmem:s17+$0xFFFFFE60]  }
0x31b: {  	v19 =	vld [tilespmem:s14+$0xFFFFFE60]  }
0x31c: {  	v21 =	vadd.f32 v0, v3;
	v0 =	vmul.f32 v18, v16;
	v3 =	vld [tilespmem:s17+$0xFFFFFF20]  }
0x31d: {  	v16 =	vld [tilespmem:s14+$0xFFFFFF20]  }
0x31e: {  	v4 =	vadd.f32 v0, v4;
	v0 =	vmul.f32 v17, v1;
	v1 =	vld [tilespmem:s17+$0xFFFFFF60]  }
0x31f: {  	v17 =	vld [tilespmem:s14+$0xFFFFFF60]  }
0x320: {  	v5 =	vadd.f32 v0, v5;
	v0 =	vmul.f32 v19, v2;
	v2 =	vld [tilespmem:s17+$0x20]  }
0x321: {  	v18 =	vld [tilespmem:s14+$0x20]  }
0x322: {  	v6 =	vadd.f32 v0, v6;
	v0 =	vmul.f32 v16, v3;
	v3 =	vld [tilespmem:s17+$0x60]  }
0x323: {  	v16 =	vld [tilespmem:s14+$0x60]  }
0x324: {  	v7 =	vadd.f32 v0, v7;
	v0 =	vmul.f32 v17, v1;
	v1 =	vld [tilespmem:s17+$0x120]  }
0x325: {  	v17 =	vld [tilespmem:s14+$0x120]  }
0x326: {  	v8 =	vadd.f32 v0, v8;
	v0 =	vmul.f32 v18, v2;
	v2 =	vld [tilespmem:s17+$0x160]  }
0x327: {  	v18 =	vld [tilespmem:s14+$0x160]  }
0x328: {  	v9 =	vadd.f32 v0, v9;
	v0 =	vmul.f32 v16, v3;
	v16 =	vld [tilespmem:s17+$0x220]  }
0x329: {  	v19 =	vld [tilespmem:s14+$0x220]  }
0x32a: {  	v10 =	vadd.f32 v0, v10;
	v0 =	vmul.f32 v17, v1;
	v17 =	vld [tilespmem:s17+$0x260]  }
0x32b: {  	v23 =	vld [tilespmem:s14+$0x260]  }
0x32c: {  	v11 =	vadd.f32 v0, v11;
	v0 =	vmul.f32 v18, v2;
	v18 =	vld [tilespmem:s17+$0x320]  }
0x32d: {  	v24 =	vld [tilespmem:s14+$0x320]  }
0x32e: {  	v25 =	vld [tilespmem:s17+$0xFFFFFC30];
	v3 =	vadd.f32 v0, v12;
	v0 =	vmul.f32 v19, v16  }
0x32f: {  	v12 =	vld [tilespmem:s14+$0xFFFFFC30]  }
0x330: {  	v16 =	vld [tilespmem:s17+$0xFFFFFC70];
	v1 =	vadd.f32 v0, v13;
	v0 =	vmul.f32 v23, v17  }
0x331: {  	v13 =	vld [tilespmem:s14+$0xFFFFFC70]  }
0x332: {  	v17 =	vld [tilespmem:s17+$0xFFFFFD30];
	v2 =	vadd.f32 v0, v14;
	v0 =	vmul.f32 v24, v18  }
0x333: {  	v14 =	vld [tilespmem:s14+$0xFFFFFD30]  }
0x334: {  	v12 =	vmul.f32 v12, v25;
	v18 =	vld [tilespmem:s17+$0xFFFFFD70];
	v0 =	vadd.f32 v0, v15  }
0x335: {  	v15 =	vld [tilespmem:s14+$0xFFFFFD70]  }
0x336: {  	v12 =	vadd.f32 v12, v22;
	v13 =	vmul.f32 v13, v16;
	v16 =	vld [tilespmem:s17+$0xFFFFFE30]  }
0x337: {  	v19 =	vld [tilespmem:s14+$0xFFFFFE30]  }
0x338: {  	v13 =	vadd.f32 v13, v20;
	v14 =	vmul.f32 v14, v17;
	v17 =	vld [tilespmem:s17+$0xFFFFFE70];
	(xrf2) =	vadd.scan.msk.f32 $0xffff, v12  }
0x339: {  	v12 =	vld [tilespmem:s14+$0xFFFFFE70]  }
0x33a: {  	s18 =	sadd.s32 $0x50, s15;
	v14 =	vadd.f32 v14, v21;
	v15 =	vmul.f32 v15, v18;
	v18 =	vld [tilespmem:s17+$0xFFFFFF30]  }
0x33b: {  	v20 =	vmov s18;
	v21 =	vld [tilespmem:s14+$0xFFFFFF30];
	(xrf2) =	vadd.scan.msk.f32 $0xffff, v13  }
0x33c: {  	v13 =	vand.u32 $0xFFFFFFF0, v20;
	v4 =	vadd.f32 v15, v4;
	v15 =	vmul.f32 v19, v16;
	v16 =	vld [tilespmem:s17+$0xFFFFFF70]  }
0x33d: {  	s18 =	sadd.s32 $0x51, s15;
	v13 =	vbroadcast v13, $0x0;
	v19 =	vld [tilespmem:s14+$0xFFFFFF70]  }
0x33e: {  	v20 =	vmov s18;
	v5 =	vadd.f32 v15, v5;
	v12 =	vmul.f32 v12, v17;
	v15 =	vld [tilespmem:s17+$0x30];
	(xrf2) =	vadd.scan.msk.f32 $0xffff, v14  }
0x33f: {  	v14 =	vand.u32 $0xFFFFFFF1, v20;
	v17 =	vld [tilespmem:s14+$0x30]  }
0x340: {  	s18 =	sadd.s32 $0x52, s15;
	v14 =	vbroadcast v14, $0x0;
	v20 =	vadd.f32 v12, v6;
	v6 =	vmul.f32 v21, v18;
	v18 =	vld [tilespmem:s17+$0x70]  }
0x341: {  	v12 =	vmov s18;
	v21 =	vld [tilespmem:s14+$0x70];
	(xrf2) =	vadd.scan.msk.f32 $0xffff, v4  }
0x342: {  	v4 =	vand.u32 $0xFFFFFFF2, v12;
	v22 =	vadd.f32 v6, v7;
	v6 =	vmul.f32 v19, v16;
	v16 =	vld [tilespmem:s17+$0x130];
	v7, _, _ =	vpop (xrf2)  }
0x343: {  	s18 =	sadd.s32 $0x53, s15;
	v4 =	vbroadcast v4, $0x0;
	[tilespmem:v13+s10+$0x0] =	vst.idx.msk vm0, v7;
	v19 =	vld [tilespmem:s14+$0x130]  }
0x344: {  	v12 =	vmov s18;
	v6 =	vadd.f32 v6, v8;
	v8 =	vmul.f32 v17, v15;
	v15 =	vld [tilespmem:s17+$0x170];
	(xrf2) =	vadd.scan.msk.f32 $0xffff, v5  }
0x345: {  	v5 =	vand.u32 $0xFFFFFFF3, v12;
	v17 =	vld [tilespmem:s14+$0x170];
	v7, _, _ =	vpop (xrf2)  }
0x346: {  	s18 =	sadd.s32 $0x54, s15;
	v12 =	vbroadcast v5, $0x0;
	[tilespmem:v14+s10+$0x0] =	vst.idx.msk vm0, v7;
	v7 =	vadd.f32 v8, v9;
	v5 =	vmul.f32 v21, v18;
	v9 =	vld [tilespmem:s17+$0x230]  }
.Ltmp5:
0x347: {  	v8 =	vmov s18;
	v13 =	vld [tilespmem:s14+$0x230];
	(xrf2) =	vadd.scan.msk.f32 $0xffff, v20;
	(pc) =	sbr.rel @p0 .LBB2_12-.Ltmp5, $4  }
0x348: {  	v8 =	vand.u32 $0xFFFFFFF4, v8;
	v5 =	vadd.f32 v5, v10;
	v16 =	vmul.f32 v19, v16;
	v10 =	vld [tilespmem:s17+$0x270];
	v14, _, _ =	vpop (xrf2)  }
0x349: {  	s18 =	sadd.s32 $0x55, s15;
	v8 =	vbroadcast v8, $0x0;
	[tilespmem:v4+s10+$0x0] =	vst.idx.msk vm0, v14;
	v14 =	vld [tilespmem:s14+$0x270]  }
0x34a: {  	v19 =	vmov s18;
	v4 =	vadd.f32 v16, v11;
	v16 =	vmul.f32 v17, v15;
	v11 =	vld [tilespmem:s17+$0x330];
	(xrf2) =	vadd.scan.msk.f32 $0xffff, v22  }
0x34b: {  	v17 =	vand.u32 $0xFFFFFFF5, v19;
	s17 =	sadd.s32 $0x800, s17;
	v15 =	vld [tilespmem:s14+$0x330];
	v18, _, _ =	vpop (xrf2)  }
0x34c: {  	_ =	sdelay $0x4  }
0x34d: {  	s14 =	sadd.s32 $0x56, s15;
	[tilespmem:v12+s10+$0x0] =	vst.idx.msk vm0, v18;
	v9 =	vmul.f32 v13, v9;
	(xrf2) =	vadd.scan.msk.f32 $0xffff, v6;
	v28 =	vbroadcast v17, $0x0;
	s23 =	sadd.s32 $0x57, s15  }
0x34e: {  	v3 =	vadd.f32 v16, v3;
	s24 =	sadd.s32 $0x58, s15;
	s25 =	sadd.s32 $0x59, s15;
	v27 =	vmov s14;
	(xrf2) =	vadd.scan.msk.f32 $0xffff, v7;
	v30 =	vmov s23  }
0x34f: {  	v34 =	vmov s24;
	v36 =	vmov s25;
	v29 =	vmul.f32 v14, v10;
	(xrf2) =	vadd.scan.msk.f32 $0xffff, v5  }
0x350: {  	v12 =	vand.u32 $0xFFFFFFF6, v27;
	v1 =	vadd.f32 v9, v1;
	(xrf2) =	vadd.scan.msk.f32 $0xffff, v4;
	v32 =	vmul.f32 v15, v11  }
0x351: {  	v9 =	vand.u32 $0xFFFFFFF7, v30;
	v31 =	vbroadcast v12, $0x0;
	v2 =	vadd.f32 v29, v2;
	(xrf2) =	vadd.scan.msk.f32 $0xffff, v3  }
0x352: {  	s26 =	sadd.s32 $0x5A, s15;
	v35 =	vand.u32 $0xFFFFFFF8, v34;
	v33 =	vbroadcast v9, $0x0;
	(xrf2) =	vadd.scan.msk.f32 $0xffff, v1;
	v0 =	vadd.f32 v32, v0  }
0x353: {  	s28 =	sadd.s32 $0x5B, s15;
	v39 =	vmov s26;
	v38 =	vand.u32 $0xFFFFFFF9, v36;
	v37 =	vbroadcast v35, $0x0;
	(xrf2) =	vadd.scan.msk.f32 $0xffff, v2  }
0x354: {  	s29 =	sadd.s32 $0x5C, s15;
	v41 =	vmov s28;
	v40, _, _ =	vpop (xrf2);
	v7 =	vand.u32 $0xFFFFFFFA, v39;
	v3 =	vbroadcast v38, $0x0;
	(xrf2) =	vadd.scan.msk.f32 $0xffff, v0  }
0x355: {  	s30 =	sadd.s32 $0x5D, s15;
	v45 =	vmov s29;
	v44 =	vand.u32 $0xFFFFFFFB, v41;
	[tilespmem:v8+s10+$0x0] =	vst.idx.msk vm0, v40;
	v43 =	vbroadcast v7, $0x0;
	v42, _, _ =	vpop (xrf2)  }
0x356: {  	s31 =	sadd.s32 $0x5E, s15;
	v49 =	vmov s30;
	v48 =	vand.u32 $0xFFFFFFFC, v45;
	v47 =	vbroadcast v44, $0x0;
	[tilespmem:v28+s10+$0x0] =	vst.idx.msk vm0, v42;
	v46, _, _ =	vpop (xrf2)  }
0x357: {  	v53 =	vmov s31;
	v52 =	vand.u32 $0xFFFFFFFD, v49;
	v51 =	vbroadcast v48, $0x0;
	[tilespmem:v31+s10+$0x0] =	vst.idx.msk vm0, v46;
	v50, _, _ =	vpop (xrf2)  }
0x358: {  	v56 =	vand.u32 $0xFFFFFFFE, v53;
	v55 =	vbroadcast v52, $0x0;
	v54, _, _ =	vpop (xrf2);
	[tilespmem:v33+s10+$0x0] =	vst.idx.msk vm0, v50  }
0x359: {  	v58 =	vbroadcast v56, $0x0;
	v57, _, _ =	vpop (xrf2);
	[tilespmem:v37+s10+$0x0] =	vst.idx.msk vm0, v54  }
0x35a: {  	v59, _, _ =	vpop (xrf2);
	[tilespmem:v3+s10+$0x0] =	vst.idx.msk vm0, v57  }
0x35b: {  	[tilespmem:v43+s10+$0x0] =	vst.idx.msk vm0, v59;
	v60, _, _ =	vpop (xrf2)  }
0x35c: {  	[tilespmem:v47+s10+$0x0] =	vst.idx.msk vm0, v60;
	v61, _, _ =	vpop (xrf2)  }
0x35d: {  	s13 =	sadd.s32 $0x1, s13;
	[tilespmem:v51+s10+$0x0] =	vst.idx.msk vm0, v61;
	v62, _, _ =	vpop (xrf2)  }
0x35e: {  	p0 =	sne.s32 s13, s8;
	[tilespmem:v55+s10+$0x0] =	vst.idx.msk vm0, v62;
	v63, _, _ =	vpop (xrf2)  }
.Ltmp6:
0x35f: {  	[tilespmem:v58+s10+$0x0] =	vst.idx.msk vm0, v63;
	(pc) =	sbr.rel @p0 .LBB2_1-.Ltmp6, $4  }
0x360: {  	[hbm4b:s7+s2] =	stream.linear.scatter [tilespmem:s10], [sflag:$0x3], $0x80, $0x38;
	[tilespmem:$0x4080] =	vst v63  }
0x361: {  	_ =	swait.ge [sflag:s12], $0x80  }
0x362: {  	[sflag:s12] =	ssyncset.done $0x0  }
0x363: {  	[sflag:s12] =	ssyncadd.s32 $0xFFFFFF80  }
0x364: {  	_ =	sfence.sel $0x180000  }
0x365: {  	[bflag:$0x0] =	sbarrier.arrive $0xFFFF  }
0x366: {  	p0 =	sne.s32 s1, $0x0;
	_ =	strace $0x90000047  }
0x367: {  	s0 =	sadd.s32 @!p0 $0x100000, s0;
	[bflag:$0x2] =	sbarrier.arrive $0xFFFF  }
0x368: {  	[sflag:s0] =	ssyncadd.tile.s32 @!p0 $0x1;
	_ =	shalt  }
.Lfunc_end2:
_tile_overlayer_lowered:
.L_overlay_start_2:
0x369: {  	(tag) =	ssettag $0x2  }
0x36a: {  	s0 =	rddreg [dreg:$0x0];
	s2 =	stileid.u32  }
0x36b: {  	s1 =	rddreg [dreg:$0x1];
	p0 =	sne.s32 s2, $0x0  }
0x36c: {  	s3 =	rddreg [dreg:$0x2];
	[bflag:$0x3] =	sbarrier.arrive $0xFFFF;
	s2 =	simm.s32 @!p0 $0x1C03  }
0x36d: {  	[timem:s3], [sflag:s2] =	dma.local @!p0 [hbm:s0], s1  }
0x36e: {  	s0 =	simm.s32 @!p0 $0x3  }
0x36f: {  	_ =	swait.ge @!p0 [sflag:s0], s1  }
0x370: {  	s1 =	ssub.s32 @!p0 $0x0, s1;
	[sflag:s0] =	ssyncset.done @!p0 $0x0  }
0x371: {  	[sflag:s0] =	ssyncadd.s32 @!p0 s1  }
0x372: {  	[bflag:$0x3] =	sbarrier.arrive $0xFFFF  }
0x373: {  	_ =	shalt  }

</sc_bundles>
